<compile_context>
chip_gen: v7x
topology: tpu7x:2x2x1
jax: 0.10.2.dev20260603
libtpu: 0.0.44.dev20260713+nightly
codegen_flags: <defaults>
</compile_context>

<pallas_src>
import functools

import jax
import jax.numpy as jnp
from jax import lax
from jax.experimental import pallas as pl
from jax.experimental.pallas import tpu as pltpu
from jax.experimental.pallas import tpu_sc as plsc

E = 160000
N = 10000
D = 256

NC = 2
NS = 16
NW = NC * NS

TROWS = 80
EP = NS * TROWS * 128
GPT = TROWS * 128 // NC

NP = 10240

BE = 6400


def _sc_mesh():
    return plsc.VectorSubcoreMesh(
        core_axis_name="c", subcore_axis_name="s", num_cores=NC, num_subcores=NS)



def _score_body(q_ref, k_ref, i_ref, p_ref, ipad_ref):
    i = pl.program_id(0)
    s = jnp.sum(q_ref[...] * k_ref[...], axis=1) * (1.0 / 16.0)
    p_ref[pl.ds(i * BE, BE)] = jnp.exp(s)
    ipad_ref[pl.ds(i * BE, BE)] = i_ref[pl.ds(i * BE, BE)]

    @pl.when(i == 0)
    def _zero_tail():
        p_ref[pl.ds(E, EP - E)] = jnp.zeros((EP - E,), jnp.float32)
        ipad_ref[pl.ds(E, EP - E)] = jnp.zeros((EP - E,), jnp.int32)


def _scores(q2, k2, idx):
    return pl.pallas_call(
        _score_body,
        grid=(E // BE,),
        in_specs=[pl.BlockSpec((BE, D), lambda i: (i, 0)),
                  pl.BlockSpec((BE, D), lambda i: (i, 0)),
                  pl.BlockSpec((E,), lambda i: (0,))],
        out_specs=[pl.BlockSpec((EP,), lambda i: (0,)),
                   pl.BlockSpec((EP,), lambda i: (0,))],
        out_shape=[jax.ShapeDtypeStruct((EP,), jnp.float32),
                   jax.ShapeDtypeStruct((EP,), jnp.int32)],
    )(q2, k2, idx)



def _attn_body(idx_hbm, p_hbm, out_hbm, idx_v, p_v, buf_v, d_v, a_v, shared, dsem):
    cid = lax.axis_index("c")
    sid = lax.axis_index("s")
    chunk = NP // NS

    st1 = pltpu.async_copy(idx_hbm.at[pl.ds(sid * TROWS, TROWS)], idx_v, dsem)
    st2 = pltpu.async_copy(p_hbm.at[pl.ds(sid * TROWS, TROWS)], p_v, dsem)

    def zbody(i, _):
        buf_v[pl.ds(i * 16, 16)] = jnp.zeros((16,), jnp.float32)
        return ()
    lax.fori_loop(0, chunk // 16, zbody, ())
    pltpu.sync_copy(buf_v, shared.at[pl.ds(sid * chunk, chunk)])
    st1.wait()
    st2.wait()
    plsc.subcore_barrier()

    def sgroup(g, _):
        for u in range(20):
            pltpu.async_copy(
                p_v.at[g * 20 + u], shared.at[idx_v.at[g * 20 + u]], dsem, add=True)
        return ()
    lax.fori_loop(0, TROWS // 20, sgroup, ())
    pltpu.make_async_copy(p_hbm.at[pl.ds(0, TROWS)], p_v, dsem).wait()
    plsc.subcore_barrier()

    row0 = (TROWS // NC) * cid
    grows = TROWS // NC

    def ggroup(g, _):
        for u in range(20):
            pltpu.async_copy(
                shared.at[idx_v.at[row0 + g * 20 + u]], d_v.at[g * 20 + u], dsem)
        return ()
    lax.fori_loop(0, grows // 20, ggroup, ())
    pltpu.make_async_copy(p_hbm.at[pl.ds(0, grows)], d_v, dsem).wait()

    def grow(r, _):
        for u in range(8):
            sl = pl.ds(u * 16, 16)
            a_v[pl.ds(r * 128 + u * 16, 16)] = (
                p_v[row0 + r, sl] / (d_v[r, sl] + 1.0))
        return ()
    lax.fori_loop(0, grows, grow, ())

    base = sid * (TROWS * 128) + cid * GPT
    last = base + GPT > E

    @pl.when(jnp.logical_not(last))
    def _full():
        pltpu.sync_copy(a_v, out_hbm.at[pl.ds(base, GPT)])

    @pl.when(last)
    def _tail():
        rem = E - (NS - 1) * (TROWS * 128) - GPT
        pltpu.sync_copy(a_v.at[pl.ds(0, rem)], out_hbm.at[pl.ds(base, rem)])


@functools.cache
def _sc_kernel():
    return pl.kernel(
        _attn_body,
        out_type=jax.ShapeDtypeStruct((E,), jnp.float32),
        mesh=_sc_mesh(),
        compiler_params=pltpu.CompilerParams(needs_layout_passes=False),
        scratch_types=[
            pltpu.VMEM((TROWS, 128), jnp.int32),
            pltpu.VMEM((TROWS, 128), jnp.float32),
            pltpu.VMEM((NP // NS,), jnp.float32),
            pltpu.VMEM((TROWS // NC, 128), jnp.float32),
            pltpu.VMEM((GPT,), jnp.float32),
            pltpu.VMEM_SHARED((NP,), jnp.float32),
            pltpu.SemaphoreType.DMA,
        ],
    )



def _scale_body(a_ref, v_ref, o_ref):
    i = pl.program_id(0)
    a = a_ref[pl.ds(i * BE, BE)].reshape(BE, 1)
    o_ref[...] = a * v_ref[...]


def _scale(attn, v2):
    return pl.pallas_call(
        _scale_body,
        grid=(E // BE,),
        in_specs=[pl.BlockSpec((E,), lambda i: (0,)),
                  pl.BlockSpec((BE, D), lambda i: (i, 0))],
        out_specs=pl.BlockSpec((BE, D), lambda i: (i, 0)),
        out_shape=jax.ShapeDtypeStruct((E, D), jnp.float32),
    )(attn, v2)


def kernel(query, key, value, index, num_nodes):
    q2 = query.reshape(E, D)
    k2 = key.reshape(E, D)
    v2 = value.reshape(E, D)
    idx = index.astype(jnp.int32)

    p_pad, i_pad = _scores(q2, k2, idx)

    attn = _sc_kernel()(
        i_pad.reshape(EP // 128, 128), p_pad.reshape(EP // 128, 128))

    return _scale(attn, v2)

# --- scband reference (transcript-rebuilt; emitter-appended) ---
"""Pipeline reference for scband-attention-68925635166686 (READ-ONLY COPY).

The authoritative reference and input builder live on the scoring server;
editing this copy changes nothing except your own understanding.
"""

import math
import jax, jax.numpy as jnp
import numpy as np

E = 160000
N = 10000
D = 256

def setup_inputs() -> dict:
    rng = jax.random.key(0)
    k1, k2, k3, k4 = jax.random.split(rng, 4)
    query = jax.random.normal(k1, (1, E, D), dtype=jnp.float32)
    key_t = jax.random.normal(k2, (1, E, D), dtype=jnp.float32)
    value = jax.random.normal(k3, (1, E, D), dtype=jnp.float32)
    index = jax.random.randint(k4, (E,), 0, N, dtype=jnp.int64)
    return {"query": query, "key": key_t, "value": value, "index": index, "num_nodes": N}


def restricted_softmax(src, index, num_nodes, margin=0.0):
    # src: [B, E, 1, 1]; index: [E]; scatter dim = 1
    index = index + jnp.asarray(num_nodes - num_nodes).astype(index.dtype)
    srcT = jnp.moveaxis(src, 1, 0)  # [E, B, 1, 1]
    seg_max = jax.ops.segment_max(srcT.astype(jnp.float32), index, num_segments=N)  # [N, B, 1, 1]
    seg_max = jnp.maximum(seg_max, 0.0)  # clamp(min=0); also fixes -inf on empty segments
    src_max_e = jnp.moveaxis(seg_max[index], 0, 1)  # [B, E, 1, 1]
    out = jnp.exp(src - src_max_e)
    outT = jnp.moveaxis(out, 1, 0)  # [E, B, 1, 1]
    denom = jax.ops.segment_sum(outT, index, num_segments=N)  # [N, B, 1, 1]
    denom_full = denom + jnp.exp(margin - seg_max)
    gathered = jnp.moveaxis(denom_full[index], 0, 1)  # [B, E, 1, 1]
    return out / gathered


def reference(query, key, value, index, num_nodes):
    d = key.shape[-1]
    # score = matmul(q.unsqueeze(-2), k.unsqueeze(-1)) -> per-edge dot product [B, E, 1, 1]
    score = jnp.matmul(query[..., None, :], key[..., :, None])
    score = score / math.sqrt(d)
    attn = restricted_softmax(score, index, num_nodes, margin=0.0)
    # dropout p=0 -> identity
    out = jnp.matmul(attn, value[..., None, :])  # [B, E, 1, d]
    return jnp.squeeze(out)  # [E, d]

if __name__ == "__main__":
    import jax
    _d = setup_inputs()
    print(jax.jit(kernel)(*tuple(_d.values())))

</pallas_src>

<mosaic_0001>
#map = affine_map<(d0, d1) -> (0, 0)>
#map1 = affine_map<(d0, d1) -> (0)>
module attributes {stable_mosaic.version = 14 : i64} {
  func.func @_attn_body(%arg0: i32, %arg1: i32, %arg2: memref<1280x128xi32, #tpu.memory_space<hbm>>, %arg3: memref<1280x128xf32, #tpu.memory_space<hbm>>, %arg4: memref<160000xf32, #tpu.memory_space<hbm>>, %arg5: memref<80x128xi32, #tpu.memory_space<vmem>>, %arg6: memref<80x128xf32, #tpu.memory_space<vmem>>, %arg7: memref<640xf32, #tpu.memory_space<vmem>>, %arg8: memref<40x128xf32, #tpu.memory_space<vmem>>, %arg9: memref<5120xf32, #tpu.memory_space<vmem>>, %arg10: memref<10240xf32, #tpu.memory_space<vmem_shared>>, %arg11: memref<!tpu.dma_semaphore, #tpu.memory_space<semaphore_mem>>) attributes {dimension_semantics = [#tpu.dimension_semantics<core_parallel>, #tpu.dimension_semantics<subcore_parallel>], iteration_bounds = array<i64: 2, 16>, scalar_prefetch = 0 : i64, scratch_operands = 7 : i64, tpu.core_type = #tpu.core_type<sc_vector_subcore>, window_params = [{transform_indices = #map}, {transform_indices = #map}, {transform_indices = #map1}]} {
    %mul3A = arith.constant 80 : i32
    %mul3A_0 = arith.muli %arg1, %mul3A : i32
    %dma_start3A = arith.constant 0 : i32
    %dma_start3A_1 = tpu.memref_slice %arg2[%mul3A_0, %dma_start3A] : memref<1280x128xi32, #tpu.memory_space<hbm>> -> memref<80x128xi32, #tpu.memory_space<hbm>>
    %dma_start3A_2 = arith.constant 0 : i32
    %dma_start3A_3 = tpu.memref_slice %arg2[%mul3A_0, %dma_start3A_2] : memref<1280x128xi32, #tpu.memory_space<hbm>> -> memref<80x128xi32, #tpu.memory_space<hbm>>
    tpu.enqueue_dma source(%dma_start3A_3 : memref<80x128xi32, #tpu.memory_space<hbm>>) target(%arg5 : memref<80x128xi32, #tpu.memory_space<vmem>>) target_semaphore(%arg11 : memref<!tpu.dma_semaphore, #tpu.memory_space<semaphore_mem>>)
    %mul3A_4 = arith.constant 80 : i32
    %mul3A_5 = arith.muli %arg1, %mul3A_4 : i32
    %dma_start3A_6 = arith.constant 0 : i32
    %dma_start3A_7 = tpu.memref_slice %arg3[%mul3A_5, %dma_start3A_6] : memref<1280x128xf32, #tpu.memory_space<hbm>> -> memref<80x128xf32, #tpu.memory_space<hbm>>
    %dma_start3A_8 = arith.constant 0 : i32
    %dma_start3A_9 = tpu.memref_slice %arg3[%mul3A_5, %dma_start3A_8] : memref<1280x128xf32, #tpu.memory_space<hbm>> -> memref<80x128xf32, #tpu.memory_space<hbm>>
    tpu.enqueue_dma source(%dma_start3A_9 : memref<80x128xf32, #tpu.memory_space<hbm>>) target(%arg6 : memref<80x128xf32, #tpu.memory_space<vmem>>) target_semaphore(%arg11 : memref<!tpu.dma_semaphore, #tpu.memory_space<semaphore_mem>>)
    %scan3A = arith.constant 0 : i32
    %scan3A_10 = arith.constant 40 : i32
    %scan3A_11 = arith.addi %scan3A, %scan3A_10 : i32
    %scan3A_12 = arith.constant 1 : i32
    scf.for %scan3A_65 = %scan3A to %scan3A_11 step %scan3A_12  : i32 {
      %broadcast_in_dim3A = arith.constant 0.000000e+00 : f32
      %broadcast_in_dim3A_66 = vector.broadcast %broadcast_in_dim3A : f32 to vector<16xf32>
      %mul3A_67 = arith.constant 16 : i32
      %mul3A_68 = arith.muli %scan3A_65, %mul3A_67 : i32
      %swap3A = arith.index_cast %mul3A_68 : i32 to index
      %swap3A_69 = tpu.vector_load %arg7[%swap3A] {strides = array<i32>} : memref<640xf32, #tpu.memory_space<vmem>>, vector<16xf32>,
      tpu.vector_store %arg7[%swap3A], %broadcast_in_dim3A_66 {strides = array<i32>} : memref<640xf32, #tpu.memory_space<vmem>>, vector<16xf32>,
    }
    %scan3A_13 = arith.constant 40 : i32
    %mul3A_14 = arith.constant 640 : i32
    %mul3A_15 = arith.muli %arg1, %mul3A_14 : i32
    "tpu.region"() ({
      %run_scoped3A = tpu.sem_alloc : memref<!tpu.dma_semaphore, #tpu.memory_space<semaphore_mem>>
      %dma_start3A_65 = tpu.memref_slice %arg10[%mul3A_15] : memref<10240xf32, #tpu.memory_space<vmem_shared>> -> memref<640xf32, #tpu.memory_space<vmem_shared>>
      %dma_start3A_66 = tpu.memref_slice %arg10[%mul3A_15] : memref<10240xf32, #tpu.memory_space<vmem_shared>> -> memref<640xf32, #tpu.memory_space<vmem_shared>>
      tpu.enqueue_dma source(%arg7 : memref<640xf32, #tpu.memory_space<vmem>>) target(%dma_start3A_66 : memref<640xf32, #tpu.memory_space<vmem_shared>>) target_semaphore(%run_scoped3A : memref<!tpu.dma_semaphore, #tpu.memory_space<semaphore_mem>>)
      %dma_wait3A_67 = tpu.memref_slice %arg10[%mul3A_15] : memref<10240xf32, #tpu.memory_space<vmem_shared>> -> memref<640xf32, #tpu.memory_space<vmem_shared>>
      %dma_wait3A_68 = tpu.memref_slice %arg10[%mul3A_15] : memref<10240xf32, #tpu.memory_space<vmem_shared>> -> memref<640xf32, #tpu.memory_space<vmem_shared>>
      tpu.wait_dma2 semaphore(%run_scoped3A : memref<!tpu.dma_semaphore, #tpu.memory_space<semaphore_mem>>) src(%arg7 : memref<640xf32, #tpu.memory_space<vmem>>) dst(%dma_wait3A_68 : memref<640xf32, #tpu.memory_space<vmem_shared>>)
      tpu.yield
    }) : () -> ()
    %dma_wait3A = arith.constant 0 : i32
    %dma_wait3A_16 = tpu.memref_slice %arg2[%mul3A_0, %dma_wait3A] : memref<1280x128xi32, #tpu.memory_space<hbm>> -> memref<80x128xi32, #tpu.memory_space<hbm>>
    %dma_wait3A_17 = arith.constant 0 : i32
    %dma_wait3A_18 = tpu.memref_slice %arg2[%mul3A_0, %dma_wait3A_17] : memref<1280x128xi32, #tpu.memory_space<hbm>> -> memref<80x128xi32, #tpu.memory_space<hbm>>
    tpu.wait_dma2 semaphore(%arg11 : memref<!tpu.dma_semaphore, #tpu.memory_space<semaphore_mem>>) src(%dma_wait3A_18 : memref<80x128xi32, #tpu.memory_space<hbm>>) dst(%arg5 : memref<80x128xi32, #tpu.memory_space<vmem>>)
    %dma_wait3A_19 = arith.constant 0 : i32
    %dma_wait3A_20 = tpu.memref_slice %arg3[%mul3A_5, %dma_wait3A_19] : memref<1280x128xf32, #tpu.memory_space<hbm>> -> memref<80x128xf32, #tpu.memory_space<hbm>>
    %dma_wait3A_21 = arith.constant 0 : i32
    %dma_wait3A_22 = tpu.memref_slice %arg3[%mul3A_5, %dma_wait3A_21] : memref<1280x128xf32, #tpu.memory_space<hbm>> -> memref<80x128xf32, #tpu.memory_space<hbm>>
    tpu.wait_dma2 semaphore(%arg11 : memref<!tpu.dma_semaphore, #tpu.memory_space<semaphore_mem>>) src(%dma_wait3A_22 : memref<80x128xf32, #tpu.memory_space<hbm>>) dst(%arg6 : memref<80x128xf32, #tpu.memory_space<vmem>>)
    %barrier3A = arith.constant 0 : index
    tpu.barrier barrier_id(%barrier3A)
    %scan3A_23 = arith.constant 0 : i32
    %scan3A_24 = arith.constant 4 : i32
    %scan3A_25 = arith.addi %scan3A_23, %scan3A_24 : i32
    %scan3A_26 = arith.constant 1 : i32
    scf.for %scan3A_65 = %scan3A_23 to %scan3A_25 step %scan3A_26  : i32 {
      %mul3A_66 = arith.constant 20 : i32
      %mul3A_67 = arith.muli %scan3A_65, %mul3A_66 : i32
      %add3A_68 = arith.constant 0 : i32
      %add3A_69 = arith.addi %mul3A_67, %add3A_68 : i32
      %mul3A_70 = arith.constant 20 : i32
      %mul3A_71 = arith.muli %scan3A_65, %mul3A_70 : i32
      %add3A_72 = arith.constant 0 : i32
      %add3A_73 = arith.addi %mul3A_71, %add3A_72 : i32
      %dma_start3A_74 = arith.constant 0 : i32
      %dma_start3A_75 = tpu.memref_slice %arg6[%add3A_69, %dma_start3A_74] : memref<80x128xf32, #tpu.memory_space<vmem>> -> memref<1x128xf32, #tpu.memory_space<vmem>>
      %dma_start3A_76 = tpu.memref_squeeze %dma_start3A_75 : memref<1x128xf32, #tpu.memory_space<vmem>> -> memref<128xf32, #tpu.memory_space<vmem>>
      %dma_start3A_77 = arith.constant 0 : i32
      %dma_start3A_78 = tpu.memref_slice %arg5[%add3A_73, %dma_start3A_77] : memref<80x128xi32, #tpu.memory_space<vmem>> -> memref<1x128xi32, #tpu.memory_space<vmem>>
      %dma_start3A_79 = tpu.memref_squeeze %dma_start3A_78 : memref<1x128xi32, #tpu.memory_space<vmem>> -> memref<128xi32, #tpu.memory_space<vmem>>
      %dma_start3A_80 = arith.constant 0 : i32
      %dma_start3A_81 = tpu.memref_slice %arg10[%dma_start3A_80] : memref<10240xf32, #tpu.memory_space<vmem_shared>> -> memref<10240xf32, #tpu.memory_space<vmem_shared>>
      tpu.enqueue_indirect_dma source(%dma_start3A_76 : memref<128xf32, #tpu.memory_space<vmem>>) target(%dma_start3A_81 : memref<10240xf32, #tpu.memory_space<vmem_shared>>) offsets(%dma_start3A_79 : memref<128xi32, #tpu.memory_space<vmem>>) semaphore(%arg11 : memref<!tpu.dma_semaphore, #tpu.memory_space<semaphore_mem>>) {add = true}
      %mul3A_82 = arith.constant 20 : i32
      %mul3A_83 = arith.muli %scan3A_65, %mul3A_82 : i32
      %add3A_84 = arith.constant 1 : i32
      %add3A_85 = arith.addi %mul3A_83, %add3A_84 : i32
      %mul3A_86 = arith.constant 20 : i32
      %mul3A_87 = arith.muli %scan3A_65, %mul3A_86 : i32
      %add3A_88 = arith.constant 1 : i32
      %add3A_89 = arith.addi %mul3A_87, %add3A_88 : i32
      %dma_start3A_90 = arith.constant 0 : i32
      %dma_start3A_91 = tpu.memref_slice %arg6[%add3A_85, %dma_start3A_90] : memref<80x128xf32, #tpu.memory_space<vmem>> -> memref<1x128xf32, #tpu.memory_space<vmem>>
      %dma_start3A_92 = tpu.memref_squeeze %dma_start3A_91 : memref<1x128xf32, #tpu.memory_space<vmem>> -> memref<128xf32, #tpu.memory_space<vmem>>
      %dma_start3A_93 = arith.constant 0 : i32
      %dma_start3A_94 = tpu.memref_slice %arg5[%add3A_89, %dma_start3A_93] : memref<80x128xi32, #tpu.memory_space<vmem>> -> memref<1x128xi32, #tpu.memory_space<vmem>>
      %dma_start3A_95 = tpu.memref_squeeze %dma_start3A_94 : memref<1x128xi32, #tpu.memory_space<vmem>> -> memref<128xi32, #tpu.memory_space<vmem>>
      %dma_start3A_96 = arith.constant 0 : i32
      %dma_start3A_97 = tpu.memref_slice %arg10[%dma_start3A_96] : memref<10240xf32, #tpu.memory_space<vmem_shared>> -> memref<10240xf32, #tpu.memory_space<vmem_shared>>
      tpu.enqueue_indirect_dma source(%dma_start3A_92 : memref<128xf32, #tpu.memory_space<vmem>>) target(%dma_start3A_97 : memref<10240xf32, #tpu.memory_space<vmem_shared>>) offsets(%dma_start3A_95 : memref<128xi32, #tpu.memory_space<vmem>>) semaphore(%arg11 : memref<!tpu.dma_semaphore, #tpu.memory_space<semaphore_mem>>) {add = true}
      %mul3A_98 = arith.constant 20 : i32
      %mul3A_99 = arith.muli %scan3A_65, %mul3A_98 : i32
      %add3A_100 = arith.constant 2 : i32
      %add3A_101 = arith.addi %mul3A_99, %add3A_100 : i32
      %mul3A_102 = arith.constant 20 : i32
      %mul3A_103 = arith.muli %scan3A_65, %mul3A_102 : i32
      %add3A_104 = arith.constant 2 : i32
      %add3A_105 = arith.addi %mul3A_103, %add3A_104 : i32
      %dma_start3A_106 = arith.constant 0 : i32
      %dma_start3A_107 = tpu.memref_slice %arg6[%add3A_101, %dma_start3A_106] : memref<80x128xf32, #tpu.memory_space<vmem>> -> memref<1x128xf32, #tpu.memory_space<vmem>>
      %dma_start3A_108 = tpu.memref_squeeze %dma_start3A_107 : memref<1x128xf32, #tpu.memory_space<vmem>> -> memref<128xf32, #tpu.memory_space<vmem>>
      %dma_start3A_109 = arith.constant 0 : i32
      %dma_start3A_110 = tpu.memref_slice %arg5[%add3A_105, %dma_start3A_109] : memref<80x128xi32, #tpu.memory_space<vmem>> -> memref<1x128xi32, #tpu.memory_space<vmem>>
      %dma_start3A_111 = tpu.memref_squeeze %dma_start3A_110 : memref<1x128xi32, #tpu.memory_space<vmem>> -> memref<128xi32, #tpu.memory_space<vmem>>
      %dma_start3A_112 = arith.constant 0 : i32
      %dma_start3A_113 = tpu.memref_slice %arg10[%dma_start3A_112] : memref<10240xf32, #tpu.memory_space<vmem_shared>> -> memref<10240xf32, #tpu.memory_space<vmem_shared>>
      tpu.enqueue_indirect_dma source(%dma_start3A_108 : memref<128xf32, #tpu.memory_space<vmem>>) target(%dma_start3A_113 : memref<10240xf32, #tpu.memory_space<vmem_shared>>) offsets(%dma_start3A_111 : memref<128xi32, #tpu.memory_space<vmem>>) semaphore(%arg11 : memref<!tpu.dma_semaphore, #tpu.memory_space<semaphore_mem>>) {add = true}
      %mul3A_114 = arith.constant 20 : i32
      %mul3A_115 = arith.muli %scan3A_65, %mul3A_114 : i32
      %add3A_116 = arith.constant 3 : i32
      %add3A_117 = arith.addi %mul3A_115, %add3A_116 : i32
      %mul3A_118 = arith.constant 20 : i32
      %mul3A_119 = arith.muli %scan3A_65, %mul3A_118 : i32
      %add3A_120 = arith.constant 3 : i32
      %add3A_121 = arith.addi %mul3A_119, %add3A_120 : i32
      %dma_start3A_122 = arith.constant 0 : i32
      %dma_start3A_123 = tpu.memref_slice %arg6[%add3A_117, %dma_start3A_122] : memref<80x128xf32, #tpu.memory_space<vmem>> -> memref<1x128xf32, #tpu.memory_space<vmem>>
      %dma_start3A_124 = tpu.memref_squeeze %dma_start3A_123 : memref<1x128xf32, #tpu.memory_space<vmem>> -> memref<128xf32, #tpu.memory_space<vmem>>
      %dma_start3A_125 = arith.constant 0 : i32
      %dma_start3A_126 = tpu.memref_slice %arg5[%add3A_121, %dma_start3A_125] : memref<80x128xi32, #tpu.memory_space<vmem>> -> memref<1x128xi32, #tpu.memory_space<vmem>>
      %dma_start3A_127 = tpu.memref_squeeze %dma_start3A_126 : memref<1x128xi32, #tpu.memory_space<vmem>> -> memref<128xi32, #tpu.memory_space<vmem>>
      %dma_start3A_128 = arith.constant 0 : i32
      %dma_start3A_129 = tpu.memref_slice %arg10[%dma_start3A_128] : memref<10240xf32, #tpu.memory_space<vmem_shared>> -> memref<10240xf32, #tpu.memory_space<vmem_shared>>
      tpu.enqueue_indirect_dma source(%dma_start3A_124 : memref<128xf32, #tpu.memory_space<vmem>>) target(%dma_start3A_129 : memref<10240xf32, #tpu.memory_space<vmem_shared>>) offsets(%dma_start3A_127 : memref<128xi32, #tpu.memory_space<vmem>>) semaphore(%arg11 : memref<!tpu.dma_semaphore, #tpu.memory_space<semaphore_mem>>) {add = true}
      %mul3A_130 = arith.constant 20 : i32
      %mul3A_131 = arith.muli %scan3A_65, %mul3A_130 : i32
      %add3A_132 = arith.constant 4 : i32
      %add3A_133 = arith.addi %mul3A_131, %add3A_132 : i32
      %mul3A_134 = arith.constant 20 : i32
      %mul3A_135 = arith.muli %scan3A_65, %mul3A_134 : i32
      %add3A_136 = arith.constant 4 : i32
      %add3A_137 = arith.addi %mul3A_135, %add3A_136 : i32
      %dma_start3A_138 = arith.constant 0 : i32
      %dma_start3A_139 = tpu.memref_slice %arg6[%add3A_133, %dma_start3A_138] : memref<80x128xf32, #tpu.memory_space<vmem>> -> memref<1x128xf32, #tpu.memory_space<vmem>>
      %dma_start3A_140 = tpu.memref_squeeze %dma_start3A_139 : memref<1x128xf32, #tpu.memory_space<vmem>> -> memref<128xf32, #tpu.memory_space<vmem>>
      %dma_start3A_141 = arith.constant 0 : i32
      %dma_start3A_142 = tpu.memref_slice %arg5[%add3A_137, %dma_start3A_141] : memref<80x128xi32, #tpu.memory_space<vmem>> -> memref<1x128xi32, #tpu.memory_space<vmem>>
      %dma_start3A_143 = tpu.memref_squeeze %dma_start3A_142 : memref<1x128xi32, #tpu.memory_space<vmem>> -> memref<128xi32, #tpu.memory_space<vmem>>
      %dma_start3A_144 = arith.constant 0 : i32
      %dma_start3A_145 = tpu.memref_slice %arg10[%dma_start3A_144] : memref<10240xf32, #tpu.memory_space<vmem_shared>> -> memref<10240xf32, #tpu.memory_space<vmem_shared>>
      tpu.enqueue_indirect_dma source(%dma_start3A_140 : memref<128xf32, #tpu.memory_space<vmem>>) target(%dma_start3A_145 : memref<10240xf32, #tpu.memory_space<vmem_shared>>) offsets(%dma_start3A_143 : memref<128xi32, #tpu.memory_space<vmem>>) semaphore(%arg11 : memref<!tpu.dma_semaphore, #tpu.memory_space<semaphore_mem>>) {add = true}
      %mul3A_146 = arith.constant 20 : i32
      %mul3A_147 = arith.muli %scan3A_65, %mul3A_146 : i32
      %add3A_148 = arith.constant 5 : i32
      %add3A_149 = arith.addi %mul3A_147, %add3A_148 : i32
      %mul3A_150 = arith.constant 20 : i32
      %mul3A_151 = arith.muli %scan3A_65, %mul3A_150 : i32
      %add3A_152 = arith.constant 5 : i32
      %add3A_153 = arith.addi %mul3A_151, %add3A_152 : i32
      %dma_start3A_154 = arith.constant 0 : i32
      %dma_start3A_155 = tpu.memref_slice %arg6[%add3A_149, %dma_start3A_154] : memref<80x128xf32, #tpu.memory_space<vmem>> -> memref<1x128xf32, #tpu.memory_space<vmem>>
      %dma_start3A_156 = tpu.memref_squeeze %dma_start3A_155 : memref<1x128xf32, #tpu.memory_space<vmem>> -> memref<128xf32, #tpu.memory_space<vmem>>
      %dma_start3A_157 = arith.constant 0 : i32
      %dma_start3A_158 = tpu.memref_slice %arg5[%add3A_153, %dma_start3A_157] : memref<80x128xi32, #tpu.memory_space<vmem>> -> memref<1x128xi32, #tpu.memory_space<vmem>>
      %dma_start3A_159 = tpu.memref_squeeze %dma_start3A_158 : memref<1x128xi32, #tpu.memory_space<vmem>> -> memref<128xi32, #tpu.memory_space<vmem>>
      %dma_start3A_160 = arith.constant 0 : i32
      %dma_start3A_161 = tpu.memref_slice %arg10[%dma_start3A_160] : memref<10240xf32, #tpu.memory_space<vmem_shared>> -> memref<10240xf32, #tpu.memory_space<vmem_shared>>
      tpu.enqueue_indirect_dma source(%dma_start3A_156 : memref<128xf32, #tpu.memory_space<vmem>>) target(%dma_start3A_161 : memref<10240xf32, #tpu.memory_space<vmem_shared>>) offsets(%dma_start3A_159 : memref<128xi32, #tpu.memory_space<vmem>>) semaphore(%arg11 : memref<!tpu.dma_semaphore, #tpu.memory_space<semaphore_mem>>) {add = true}
      %mul3A_162 = arith.constant 20 : i32
      %mul3A_163 = arith.muli %scan3A_65, %mul3A_162 : i32
      %add3A_164 = arith.constant 6 : i32
      %add3A_165 = arith.addi %mul3A_163, %add3A_164 : i32
      %mul3A_166 = arith.constant 20 : i32
      %mul3A_167 = arith.muli %scan3A_65, %mul3A_166 : i32
      %add3A_168 = arith.constant 6 : i32
      %add3A_169 = arith.addi %mul3A_167, %add3A_168 : i32
      %dma_start3A_170 = arith.constant 0 : i32
      %dma_start3A_171 = tpu.memref_slice %arg6[%add3A_165, %dma_start3A_170] : memref<80x128xf32, #tpu.memory_space<vmem>> -> memref<1x128xf32, #tpu.memory_space<vmem>>
      %dma_start3A_172 = tpu.memref_squeeze %dma_start3A_171 : memref<1x128xf32, #tpu.memory_space<vmem>> -> memref<128xf32, #tpu.memory_space<vmem>>
      %dma_start3A_173 = arith.constant 0 : i32
      %dma_start3A_174 = tpu.memref_slice %arg5[%add3A_169, %dma_start3A_173] : memref<80x128xi32, #tpu.memory_space<vmem>> -> memref<1x128xi32, #tpu.memory_space<vmem>>
      %dma_start3A_175 = tpu.memref_squeeze %dma_start3A_174 : memref<1x128xi32, #tpu.memory_space<vmem>> -> memref<128xi32, #tpu.memory_space<vmem>>
      %dma_start3A_176 = arith.constant 0 : i32
      %dma_start3A_177 = tpu.memref_slice %arg10[%dma_start3A_176] : memref<10240xf32, #tpu.memory_space<vmem_shared>> -> memref<10240xf32, #tpu.memory_space<vmem_shared>>
      tpu.enqueue_indirect_dma source(%dma_start3A_172 : memref<128xf32, #tpu.memory_space<vmem>>) target(%dma_start3A_177 : memref<10240xf32, #tpu.memory_space<vmem_shared>>) offsets(%dma_start3A_175 : memref<128xi32, #tpu.memory_space<vmem>>) semaphore(%arg11 : memref<!tpu.dma_semaphore, #tpu.memory_space<semaphore_mem>>) {add = true}
      %mul3A_178 = arith.constant 20 : i32
      %mul3A_179 = arith.muli %scan3A_65, %mul3A_178 : i32
      %add3A_180 = arith.constant 7 : i32
      %add3A_181 = arith.addi %mul3A_179, %add3A_180 : i32
      %mul3A_182 = arith.constant 20 : i32
      %mul3A_183 = arith.muli %scan3A_65, %mul3A_182 : i32
      %add3A_184 = arith.constant 7 : i32
      %add3A_185 = arith.addi %mul3A_183, %add3A_184 : i32
      %dma_start3A_186 = arith.constant 0 : i32
      %dma_start3A_187 = tpu.memref_slice %arg6[%add3A_181, %dma_start3A_186] : memref<80x128xf32, #tpu.memory_space<vmem>> -> memref<1x128xf32, #tpu.memory_space<vmem>>
      %dma_start3A_188 = tpu.memref_squeeze %dma_start3A_187 : memref<1x128xf32, #tpu.memory_space<vmem>> -> memref<128xf32, #tpu.memory_space<vmem>>
      %dma_start3A_189 = arith.constant 0 : i32
      %dma_start3A_190 = tpu.memref_slice %arg5[%add3A_185, %dma_start3A_189] : memref<80x128xi32, #tpu.memory_space<vmem>> -> memref<1x128xi32, #tpu.memory_space<vmem>>
      %dma_start3A_191 = tpu.memref_squeeze %dma_start3A_190 : memref<1x128xi32, #tpu.memory_space<vmem>> -> memref<128xi32, #tpu.memory_space<vmem>>
      %dma_start3A_192 = arith.constant 0 : i32
      %dma_start3A_193 = tpu.memref_slice %arg10[%dma_start3A_192] : memref<10240xf32, #tpu.memory_space<vmem_shared>> -> memref<10240xf32, #tpu.memory_space<vmem_shared>>
      tpu.enqueue_indirect_dma source(%dma_start3A_188 : memref<128xf32, #tpu.memory_space<vmem>>) target(%dma_start3A_193 : memref<10240xf32, #tpu.memory_space<vmem_shared>>) offsets(%dma_start3A_191 : memref<128xi32, #tpu.memory_space<vmem>>) semaphore(%arg11 : memref<!tpu.dma_semaphore, #tpu.memory_space<semaphore_mem>>) {add = true}
      %mul3A_194 = arith.constant 20 : i32
      %mul3A_195 = arith.muli %scan3A_65, %mul3A_194 : i32
      %add3A_196 = arith.constant 8 : i32
      %add3A_197 = arith.addi %mul3A_195, %add3A_196 : i32
      %mul3A_198 = arith.constant 20 : i32
      %mul3A_199 = arith.muli %scan3A_65, %mul3A_198 : i32
      %add3A_200 = arith.constant 8 : i32
      %add3A_201 = arith.addi %mul3A_199, %add3A_200 : i32
      %dma_start3A_202 = arith.constant 0 : i32
      %dma_start3A_203 = tpu.memref_slice %arg6[%add3A_197, %dma_start3A_202] : memref<80x128xf32, #tpu.memory_space<vmem>> -> memref<1x128xf32, #tpu.memory_space<vmem>>
      %dma_start3A_204 = tpu.memref_squeeze %dma_start3A_203 : memref<1x128xf32, #tpu.memory_space<vmem>> -> memref<128xf32, #tpu.memory_space<vmem>>
      %dma_start3A_205 = arith.constant 0 : i32
      %dma_start3A_206 = tpu.memref_slice %arg5[%add3A_201, %dma_start3A_205] : memref<80x128xi32, #tpu.memory_space<vmem>> -> memref<1x128xi32, #tpu.memory_space<vmem>>
      %dma_start3A_207 = tpu.memref_squeeze %dma_start3A_206 : memref<1x128xi32, #tpu.memory_space<vmem>> -> memref<128xi32, #tpu.memory_space<vmem>>
      %dma_start3A_208 = arith.constant 0 : i32
      %dma_start3A_209 = tpu.memref_slice %arg10[%dma_start3A_208] : memref<10240xf32, #tpu.memory_space<vmem_shared>> -> memref<10240xf32, #tpu.memory_space<vmem_shared>>
      tpu.enqueue_indirect_dma source(%dma_start3A_204 : memref<128xf32, #tpu.memory_space<vmem>>) target(%dma_start3A_209 : memref<10240xf32, #tpu.memory_space<vmem_shared>>) offsets(%dma_start3A_207 : memref<128xi32, #tpu.memory_space<vmem>>) semaphore(%arg11 : memref<!tpu.dma_semaphore, #tpu.memory_space<semaphore_mem>>) {add = true}
      %mul3A_210 = arith.constant 20 : i32
      %mul3A_211 = arith.muli %scan3A_65, %mul3A_210 : i32
      %add3A_212 = arith.constant 9 : i32
      %add3A_213 = arith.addi %mul3A_211, %add3A_212 : i32
      %mul3A_214 = arith.constant 20 : i32
      %mul3A_215 = arith.muli %scan3A_65, %mul3A_214 : i32
      %add3A_216 = arith.constant 9 : i32
      %add3A_217 = arith.addi %mul3A_215, %add3A_216 : i32
      %dma_start3A_218 = arith.constant 0 : i32
      %dma_start3A_219 = tpu.memref_slice %arg6[%add3A_213, %dma_start3A_218] : memref<80x128xf32, #tpu.memory_space<vmem>> -> memref<1x128xf32, #tpu.memory_space<vmem>>
      %dma_start3A_220 = tpu.memref_squeeze %dma_start3A_219 : memref<1x128xf32, #tpu.memory_space<vmem>> -> memref<128xf32, #tpu.memory_space<vmem>>
      %dma_start3A_221 = arith.constant 0 : i32
      %dma_start3A_222 = tpu.memref_slice %arg5[%add3A_217, %dma_start3A_221] : memref<80x128xi32, #tpu.memory_space<vmem>> -> memref<1x128xi32, #tpu.memory_space<vmem>>
      %dma_start3A_223 = tpu.memref_squeeze %dma_start3A_222 : memref<1x128xi32, #tpu.memory_space<vmem>> -> memref<128xi32, #tpu.memory_space<vmem>>
      %dma_start3A_224 = arith.constant 0 : i32
      %dma_start3A_225 = tpu.memref_slice %arg10[%dma_start3A_224] : memref<10240xf32, #tpu.memory_space<vmem_shared>> -> memref<10240xf32, #tpu.memory_space<vmem_shared>>
      tpu.enqueue_indirect_dma source(%dma_start3A_220 : memref<128xf32, #tpu.memory_space<vmem>>) target(%dma_start3A_225 : memref<10240xf32, #tpu.memory_space<vmem_shared>>) offsets(%dma_start3A_223 : memref<128xi32, #tpu.memory_space<vmem>>) semaphore(%arg11 : memref<!tpu.dma_semaphore, #tpu.memory_space<semaphore_mem>>) {add = true}
      %mul3A_226 = arith.constant 20 : i32
      %mul3A_227 = arith.muli %scan3A_65, %mul3A_226 : i32
      %add3A_228 = arith.constant 10 : i32
      %add3A_229 = arith.addi %mul3A_227, %add3A_228 : i32
      %mul3A_230 = arith.constant 20 : i32
      %mul3A_231 = arith.muli %scan3A_65, %mul3A_230 : i32
      %add3A_232 = arith.constant 10 : i32
      %add3A_233 = arith.addi %mul3A_231, %add3A_232 : i32
      %dma_start3A_234 = arith.constant 0 : i32
      %dma_start3A_235 = tpu.memref_slice %arg6[%add3A_229, %dma_start3A_234] : memref<80x128xf32, #tpu.memory_space<vmem>> -> memref<1x128xf32, #tpu.memory_space<vmem>>
      %dma_start3A_236 = tpu.memref_squeeze %dma_start3A_235 : memref<1x128xf32, #tpu.memory_space<vmem>> -> memref<128xf32, #tpu.memory_space<vmem>>
      %dma_start3A_237 = arith.constant 0 : i32
      %dma_start3A_238 = tpu.memref_slice %arg5[%add3A_233, %dma_start3A_237] : memref<80x128xi32, #tpu.memory_space<vmem>> -> memref<1x128xi32, #tpu.memory_space<vmem>>
      %dma_start3A_239 = tpu.memref_squeeze %dma_start3A_238 : memref<1x128xi32, #tpu.memory_space<vmem>> -> memref<128xi32, #tpu.memory_space<vmem>>
      %dma_start3A_240 = arith.constant 0 : i32
      %dma_start3A_241 = tpu.memref_slice %arg10[%dma_start3A_240] : memref<10240xf32, #tpu.memory_space<vmem_shared>> -> memref<10240xf32, #tpu.memory_space<vmem_shared>>
      tpu.enqueue_indirect_dma source(%dma_start3A_236 : memref<128xf32, #tpu.memory_space<vmem>>) target(%dma_start3A_241 : memref<10240xf32, #tpu.memory_space<vmem_shared>>) offsets(%dma_start3A_239 : memref<128xi32, #tpu.memory_space<vmem>>) semaphore(%arg11 : memref<!tpu.dma_semaphore, #tpu.memory_space<semaphore_mem>>) {add = true}
      %mul3A_242 = arith.constant 20 : i32
      %mul3A_243 = arith.muli %scan3A_65, %mul3A_242 : i32
      %add3A_244 = arith.constant 11 : i32
      %add3A_245 = arith.addi %mul3A_243, %add3A_244 : i32
      %mul3A_246 = arith.constant 20 : i32
      %mul3A_247 = arith.muli %scan3A_65, %mul3A_246 : i32
      %add3A_248 = arith.constant 11 : i32
      %add3A_249 = arith.addi %mul3A_247, %add3A_248 : i32
      %dma_start3A_250 = arith.constant 0 : i32
      %dma_start3A_251 = tpu.memref_slice %arg6[%add3A_245, %dma_start3A_250] : memref<80x128xf32, #tpu.memory_space<vmem>> -> memref<1x128xf32, #tpu.memory_space<vmem>>
      %dma_start3A_252 = tpu.memref_squeeze %dma_start3A_251 : memref<1x128xf32, #tpu.memory_space<vmem>> -> memref<128xf32, #tpu.memory_space<vmem>>
      %dma_start3A_253 = arith.constant 0 : i32
      %dma_start3A_254 = tpu.memref_slice %arg5[%add3A_249, %dma_start3A_253] : memref<80x128xi32, #tpu.memory_space<vmem>> -> memref<1x128xi32, #tpu.memory_space<vmem>>
      %dma_start3A_255 = tpu.memref_squeeze %dma_start3A_254 : memref<1x128xi32, #tpu.memory_space<vmem>> -> memref<128xi32, #tpu.memory_space<vmem>>
      %dma_start3A_256 = arith.constant 0 : i32
      %dma_start3A_257 = tpu.memref_slice %arg10[%dma_start3A_256] : memref<10240xf32, #tpu.memory_space<vmem_shared>> -> memref<10240xf32, #tpu.memory_space<vmem_shared>>
      tpu.enqueue_indirect_dma source(%dma_start3A_252 : memref<128xf32, #tpu.memory_space<vmem>>) target(%dma_start3A_257 : memref<10240xf32, #tpu.memory_space<vmem_shared>>) offsets(%dma_start3A_255 : memref<128xi32, #tpu.memory_space<vmem>>) semaphore(%arg11 : memref<!tpu.dma_semaphore, #tpu.memory_space<semaphore_mem>>) {add = true}
      %mul3A_258 = arith.constant 20 : i32
      %mul3A_259 = arith.muli %scan3A_65, %mul3A_258 : i32
      %add3A_260 = arith.constant 12 : i32
      %add3A_261 = arith.addi %mul3A_259, %add3A_260 : i32
      %mul3A_262 = arith.constant 20 : i32
      %mul3A_263 = arith.muli %scan3A_65, %mul3A_262 : i32
      %add3A_264 = arith.constant 12 : i32
      %add3A_265 = arith.addi %mul3A_263, %add3A_264 : i32
      %dma_start3A_266 = arith.constant 0 : i32
      %dma_start3A_267 = tpu.memref_slice %arg6[%add3A_261, %dma_start3A_266] : memref<80x128xf32, #tpu.memory_space<vmem>> -> memref<1x128xf32, #tpu.memory_space<vmem>>
      %dma_start3A_268 = tpu.memref_squeeze %dma_start3A_267 : memref<1x128xf32, #tpu.memory_space<vmem>> -> memref<128xf32, #tpu.memory_space<vmem>>
      %dma_start3A_269 = arith.constant 0 : i32
      %dma_start3A_270 = tpu.memref_slice %arg5[%add3A_265, %dma_start3A_269] : memref<80x128xi32, #tpu.memory_space<vmem>> -> memref<1x128xi32, #tpu.memory_space<vmem>>
      %dma_start3A_271 = tpu.memref_squeeze %dma_start3A_270 : memref<1x128xi32, #tpu.memory_space<vmem>> -> memref<128xi32, #tpu.memory_space<vmem>>
      %dma_start3A_272 = arith.constant 0 : i32
      %dma_start3A_273 = tpu.memref_slice %arg10[%dma_start3A_272] : memref<10240xf32, #tpu.memory_space<vmem_shared>> -> memref<10240xf32, #tpu.memory_space<vmem_shared>>
      tpu.enqueue_indirect_dma source(%dma_start3A_268 : memref<128xf32, #tpu.memory_space<vmem>>) target(%dma_start3A_273 : memref<10240xf32, #tpu.memory_space<vmem_shared>>) offsets(%dma_start3A_271 : memref<128xi32, #tpu.memory_space<vmem>>) semaphore(%arg11 : memref<!tpu.dma_semaphore, #tpu.memory_space<semaphore_mem>>) {add = true}
      %mul3A_274 = arith.constant 20 : i32
      %mul3A_275 = arith.muli %scan3A_65, %mul3A_274 : i32
      %add3A_276 = arith.constant 13 : i32
      %add3A_277 = arith.addi %mul3A_275, %add3A_276 : i32
      %mul3A_278 = arith.constant 20 : i32
      %mul3A_279 = arith.muli %scan3A_65, %mul3A_278 : i32
      %add3A_280 = arith.constant 13 : i32
      %add3A_281 = arith.addi %mul3A_279, %add3A_280 : i32
      %dma_start3A_282 = arith.constant 0 : i32
      %dma_start3A_283 = tpu.memref_slice %arg6[%add3A_277, %dma_start3A_282] : memref<80x128xf32, #tpu.memory_space<vmem>> -> memref<1x128xf32, #tpu.memory_space<vmem>>
      %dma_start3A_284 = tpu.memref_squeeze %dma_start3A_283 : memref<1x128xf32, #tpu.memory_space<vmem>> -> memref<128xf32, #tpu.memory_space<vmem>>
      %dma_start3A_285 = arith.constant 0 : i32
      %dma_start3A_286 = tpu.memref_slice %arg5[%add3A_281, %dma_start3A_285] : memref<80x128xi32, #tpu.memory_space<vmem>> -> memref<1x128xi32, #tpu.memory_space<vmem>>
      %dma_start3A_287 = tpu.memref_squeeze %dma_start3A_286 : memref<1x128xi32, #tpu.memory_space<vmem>> -> memref<128xi32, #tpu.memory_space<vmem>>
      %dma_start3A_288 = arith.constant 0 : i32
      %dma_start3A_289 = tpu.memref_slice %arg10[%dma_start3A_288] : memref<10240xf32, #tpu.memory_space<vmem_shared>> -> memref<10240xf32, #tpu.memory_space<vmem_shared>>
      tpu.enqueue_indirect_dma source(%dma_start3A_284 : memref<128xf32, #tpu.memory_space<vmem>>) target(%dma_start3A_289 : memref<10240xf32, #tpu.memory_space<vmem_shared>>) offsets(%dma_start3A_287 : memref<128xi32, #tpu.memory_space<vmem>>) semaphore(%arg11 : memref<!tpu.dma_semaphore, #tpu.memory_space<semaphore_mem>>) {add = true}
      %mul3A_290 = arith.constant 20 : i32
      %mul3A_291 = arith.muli %scan3A_65, %mul3A_290 : i32
      %add3A_292 = arith.constant 14 : i32
      %add3A_293 = arith.addi %mul3A_291, %add3A_292 : i32
      %mul3A_294 = arith.constant 20 : i32
      %mul3A_295 = arith.muli %scan3A_65, %mul3A_294 : i32
      %add3A_296 = arith.constant 14 : i32
      %add3A_297 = arith.addi %mul3A_295, %add3A_296 : i32
      %dma_start3A_298 = arith.constant 0 : i32
      %dma_start3A_299 = tpu.memref_slice %arg6[%add3A_293, %dma_start3A_298] : memref<80x128xf32, #tpu.memory_space<vmem>> -> memref<1x128xf32, #tpu.memory_space<vmem>>
      %dma_start3A_300 = tpu.memref_squeeze %dma_start3A_299 : memref<1x128xf32, #tpu.memory_space<vmem>> -> memref<128xf32, #tpu.memory_space<vmem>>
      %dma_start3A_301 = arith.constant 0 : i32
      %dma_start3A_302 = tpu.memref_slice %arg5[%add3A_297, %dma_start3A_301] : memref<80x128xi32, #tpu.memory_space<vmem>> -> memref<1x128xi32, #tpu.memory_space<vmem>>
      %dma_start3A_303 = tpu.memref_squeeze %dma_start3A_302 : memref<1x128xi32, #tpu.memory_space<vmem>> -> memref<128xi32, #tpu.memory_space<vmem>>
      %dma_start3A_304 = arith.constant 0 : i32
      %dma_start3A_305 = tpu.memref_slice %arg10[%dma_start3A_304] : memref<10240xf32, #tpu.memory_space<vmem_shared>> -> memref<10240xf32, #tpu.memory_space<vmem_shared>>
      tpu.enqueue_indirect_dma source(%dma_start3A_300 : memref<128xf32, #tpu.memory_space<vmem>>) target(%dma_start3A_305 : memref<10240xf32, #tpu.memory_space<vmem_shared>>) offsets(%dma_start3A_303 : memref<128xi32, #tpu.memory_space<vmem>>) semaphore(%arg11 : memref<!tpu.dma_semaphore, #tpu.memory_space<semaphore_mem>>) {add = true}
      %mul3A_306 = arith.constant 20 : i32
      %mul3A_307 = arith.muli %scan3A_65, %mul3A_306 : i32
      %add3A_308 = arith.constant 15 : i32
      %add3A_309 = arith.addi %mul3A_307, %add3A_308 : i32
      %mul3A_310 = arith.constant 20 : i32
      %mul3A_311 = arith.muli %scan3A_65, %mul3A_310 : i32
      %add3A_312 = arith.constant 15 : i32
      %add3A_313 = arith.addi %mul3A_311, %add3A_312 : i32
      %dma_start3A_314 = arith.constant 0 : i32
      %dma_start3A_315 = tpu.memref_slice %arg6[%add3A_309, %dma_start3A_314] : memref<80x128xf32, #tpu.memory_space<vmem>> -> memref<1x128xf32, #tpu.memory_space<vmem>>
      %dma_start3A_316 = tpu.memref_squeeze %dma_start3A_315 : memref<1x128xf32, #tpu.memory_space<vmem>> -> memref<128xf32, #tpu.memory_space<vmem>>
      %dma_start3A_317 = arith.constant 0 : i32
      %dma_start3A_318 = tpu.memref_slice %arg5[%add3A_313, %dma_start3A_317] : memref<80x128xi32, #tpu.memory_space<vmem>> -> memref<1x128xi32, #tpu.memory_space<vmem>>
      %dma_start3A_319 = tpu.memref_squeeze %dma_start3A_318 : memref<1x128xi32, #tpu.memory_space<vmem>> -> memref<128xi32, #tpu.memory_space<vmem>>
      %dma_start3A_320 = arith.constant 0 : i32
      %dma_start3A_321 = tpu.memref_slice %arg10[%dma_start3A_320] : memref<10240xf32, #tpu.memory_space<vmem_shared>> -> memref<10240xf32, #tpu.memory_space<vmem_shared>>
      tpu.enqueue_indirect_dma source(%dma_start3A_316 : memref<128xf32, #tpu.memory_space<vmem>>) target(%dma_start3A_321 : memref<10240xf32, #tpu.memory_space<vmem_shared>>) offsets(%dma_start3A_319 : memref<128xi32, #tpu.memory_space<vmem>>) semaphore(%arg11 : memref<!tpu.dma_semaphore, #tpu.memory_space<semaphore_mem>>) {add = true}
      %mul3A_322 = arith.constant 20 : i32
      %mul3A_323 = arith.muli %scan3A_65, %mul3A_322 : i32
      %add3A_324 = arith.constant 16 : i32
      %add3A_325 = arith.addi %mul3A_323, %add3A_324 : i32
      %mul3A_326 = arith.constant 20 : i32
      %mul3A_327 = arith.muli %scan3A_65, %mul3A_326 : i32
      %add3A_328 = arith.constant 16 : i32
      %add3A_329 = arith.addi %mul3A_327, %add3A_328 : i32
      %dma_start3A_330 = arith.constant 0 : i32
      %dma_start3A_331 = tpu.memref_slice %arg6[%add3A_325, %dma_start3A_330] : memref<80x128xf32, #tpu.memory_space<vmem>> -> memref<1x128xf32, #tpu.memory_space<vmem>>
      %dma_start3A_332 = tpu.memref_squeeze %dma_start3A_331 : memref<1x128xf32, #tpu.memory_space<vmem>> -> memref<128xf32, #tpu.memory_space<vmem>>
      %dma_start3A_333 = arith.constant 0 : i32
      %dma_start3A_334 = tpu.memref_slice %arg5[%add3A_329, %dma_start3A_333] : memref<80x128xi32, #tpu.memory_space<vmem>> -> memref<1x128xi32, #tpu.memory_space<vmem>>
      %dma_start3A_335 = tpu.memref_squeeze %dma_start3A_334 : memref<1x128xi32, #tpu.memory_space<vmem>> -> memref<128xi32, #tpu.memory_space<vmem>>
      %dma_start3A_336 = arith.constant 0 : i32
      %dma_start3A_337 = tpu.memref_slice %arg10[%dma_start3A_336] : memref<10240xf32, #tpu.memory_space<vmem_shared>> -> memref<10240xf32, #tpu.memory_space<vmem_shared>>
      tpu.enqueue_indirect_dma source(%dma_start3A_332 : memref<128xf32, #tpu.memory_space<vmem>>) target(%dma_start3A_337 : memref<10240xf32, #tpu.memory_space<vmem_shared>>) offsets(%dma_start3A_335 : memref<128xi32, #tpu.memory_space<vmem>>) semaphore(%arg11 : memref<!tpu.dma_semaphore, #tpu.memory_space<semaphore_mem>>) {add = true}
      %mul3A_338 = arith.constant 20 : i32
      %mul3A_339 = arith.muli %scan3A_65, %mul3A_338 : i32
      %add3A_340 = arith.constant 17 : i32
      %add3A_341 = arith.addi %mul3A_339, %add3A_340 : i32
      %mul3A_342 = arith.constant 20 : i32
      %mul3A_343 = arith.muli %scan3A_65, %mul3A_342 : i32
      %add3A_344 = arith.constant 17 : i32
      %add3A_345 = arith.addi %mul3A_343, %add3A_344 : i32
      %dma_start3A_346 = arith.constant 0 : i32
      %dma_start3A_347 = tpu.memref_slice %arg6[%add3A_341, %dma_start3A_346] : memref<80x128xf32, #tpu.memory_space<vmem>> -> memref<1x128xf32, #tpu.memory_space<vmem>>
      %dma_start3A_348 = tpu.memref_squeeze %dma_start3A_347 : memref<1x128xf32, #tpu.memory_space<vmem>> -> memref<128xf32, #tpu.memory_space<vmem>>
      %dma_start3A_349 = arith.constant 0 : i32
      %dma_start3A_350 = tpu.memref_slice %arg5[%add3A_345, %dma_start3A_349] : memref<80x128xi32, #tpu.memory_space<vmem>> -> memref<1x128xi32, #tpu.memory_space<vmem>>
      %dma_start3A_351 = tpu.memref_squeeze %dma_start3A_350 : memref<1x128xi32, #tpu.memory_space<vmem>> -> memref<128xi32, #tpu.memory_space<vmem>>
      %dma_start3A_352 = arith.constant 0 : i32
      %dma_start3A_353 = tpu.memref_slice %arg10[%dma_start3A_352] : memref<10240xf32, #tpu.memory_space<vmem_shared>> -> memref<10240xf32, #tpu.memory_space<vmem_shared>>
      tpu.enqueue_indirect_dma source(%dma_start3A_348 : memref<128xf32, #tpu.memory_space<vmem>>) target(%dma_start3A_353 : memref<10240xf32, #tpu.memory_space<vmem_shared>>) offsets(%dma_start3A_351 : memref<128xi32, #tpu.memory_space<vmem>>) semaphore(%arg11 : memref<!tpu.dma_semaphore, #tpu.memory_space<semaphore_mem>>) {add = true}
      %mul3A_354 = arith.constant 20 : i32
      %mul3A_355 = arith.muli %scan3A_65, %mul3A_354 : i32
      %add3A_356 = arith.constant 18 : i32
      %add3A_357 = arith.addi %mul3A_355, %add3A_356 : i32
      %mul3A_358 = arith.constant 20 : i32
      %mul3A_359 = arith.muli %scan3A_65, %mul3A_358 : i32
      %add3A_360 = arith.constant 18 : i32
      %add3A_361 = arith.addi %mul3A_359, %add3A_360 : i32
      %dma_start3A_362 = arith.constant 0 : i32
      %dma_start3A_363 = tpu.memref_slice %arg6[%add3A_357, %dma_start3A_362] : memref<80x128xf32, #tpu.memory_space<vmem>> -> memref<1x128xf32, #tpu.memory_space<vmem>>
      %dma_start3A_364 = tpu.memref_squeeze %dma_start3A_363 : memref<1x128xf32, #tpu.memory_space<vmem>> -> memref<128xf32, #tpu.memory_space<vmem>>
      %dma_start3A_365 = arith.constant 0 : i32
      %dma_start3A_366 = tpu.memref_slice %arg5[%add3A_361, %dma_start3A_365] : memref<80x128xi32, #tpu.memory_space<vmem>> -> memref<1x128xi32, #tpu.memory_space<vmem>>
      %dma_start3A_367 = tpu.memref_squeeze %dma_start3A_366 : memref<1x128xi32, #tpu.memory_space<vmem>> -> memref<128xi32, #tpu.memory_space<vmem>>
      %dma_start3A_368 = arith.constant 0 : i32
      %dma_start3A_369 = tpu.memref_slice %arg10[%dma_start3A_368] : memref<10240xf32, #tpu.memory_space<vmem_shared>> -> memref<10240xf32, #tpu.memory_space<vmem_shared>>
      tpu.enqueue_indirect_dma source(%dma_start3A_364 : memref<128xf32, #tpu.memory_space<vmem>>) target(%dma_start3A_369 : memref<10240xf32, #tpu.memory_space<vmem_shared>>) offsets(%dma_start3A_367 : memref<128xi32, #tpu.memory_space<vmem>>) semaphore(%arg11 : memref<!tpu.dma_semaphore, #tpu.memory_space<semaphore_mem>>) {add = true}
      %mul3A_370 = arith.constant 20 : i32
      %mul3A_371 = arith.muli %scan3A_65, %mul3A_370 : i32
      %add3A_372 = arith.constant 19 : i32
      %add3A_373 = arith.addi %mul3A_371, %add3A_372 : i32
      %mul3A_374 = arith.constant 20 : i32
      %mul3A_375 = arith.muli %scan3A_65, %mul3A_374 : i32
      %add3A_376 = arith.constant 19 : i32
      %add3A_377 = arith.addi %mul3A_375, %add3A_376 : i32
      %dma_start3A_378 = arith.constant 0 : i32
      %dma_start3A_379 = tpu.memref_slice %arg6[%add3A_373, %dma_start3A_378] : memref<80x128xf32, #tpu.memory_space<vmem>> -> memref<1x128xf32, #tpu.memory_space<vmem>>
      %dma_start3A_380 = tpu.memref_squeeze %dma_start3A_379 : memref<1x128xf32, #tpu.memory_space<vmem>> -> memref<128xf32, #tpu.memory_space<vmem>>
      %dma_start3A_381 = arith.constant 0 : i32
      %dma_start3A_382 = tpu.memref_slice %arg5[%add3A_377, %dma_start3A_381] : memref<80x128xi32, #tpu.memory_space<vmem>> -> memref<1x128xi32, #tpu.memory_space<vmem>>
      %dma_start3A_383 = tpu.memref_squeeze %dma_start3A_382 : memref<1x128xi32, #tpu.memory_space<vmem>> -> memref<128xi32, #tpu.memory_space<vmem>>
      %dma_start3A_384 = arith.constant 0 : i32
      %dma_start3A_385 = tpu.memref_slice %arg10[%dma_start3A_384] : memref<10240xf32, #tpu.memory_space<vmem_shared>> -> memref<10240xf32, #tpu.memory_space<vmem_shared>>
      tpu.enqueue_indirect_dma source(%dma_start3A_380 : memref<128xf32, #tpu.memory_space<vmem>>) target(%dma_start3A_385 : memref<10240xf32, #tpu.memory_space<vmem_shared>>) offsets(%dma_start3A_383 : memref<128xi32, #tpu.memory_space<vmem>>) semaphore(%arg11 : memref<!tpu.dma_semaphore, #tpu.memory_space<semaphore_mem>>) {add = true}
    }
    %scan3A_27 = arith.constant 4 : i32
    %dma_wait3A_28 = arith.constant 0 : i32
    %dma_wait3A_29 = arith.constant 0 : i32
    %dma_wait3A_30 = tpu.memref_slice %arg3[%dma_wait3A_28, %dma_wait3A_29] : memref<1280x128xf32, #tpu.memory_space<hbm>> -> memref<80x128xf32, #tpu.memory_space<hbm>>
    %dma_wait3A_31 = arith.constant 0 : i32
    %dma_wait3A_32 = arith.constant 0 : i32
    %dma_wait3A_33 = tpu.memref_slice %arg3[%dma_wait3A_31, %dma_wait3A_32] : memref<1280x128xf32, #tpu.memory_space<hbm>> -> memref<80x128xf32, #tpu.memory_space<hbm>>
    tpu.wait_dma2 semaphore(%arg11 : memref<!tpu.dma_semaphore, #tpu.memory_space<semaphore_mem>>) src(%dma_wait3A_33 : memref<80x128xf32, #tpu.memory_space<hbm>>) dst(%arg6 : memref<80x128xf32, #tpu.memory_space<vmem>>)
    %barrier3A_34 = arith.constant 0 : index
    tpu.barrier barrier_id(%barrier3A_34)
    %mul3A_35 = arith.constant 40 : i32
    %mul3A_36 = arith.muli %mul3A_35, %arg0 : i32
    %scan3A_37 = arith.constant 0 : i32
    %scan3A_38 = arith.constant 2 : i32
    %scan3A_39 = arith.addi %scan3A_37, %scan3A_38 : i32
    %scan3A_40 = arith.constant 1 : i32
    scf.for %scan3A_65 = %scan3A_37 to %scan3A_39 step %scan3A_40  : i32 {
      %mul3A_66 = arith.constant 20 : i32
      %mul3A_67 = arith.muli %scan3A_65, %mul3A_66 : i32
      %add3A_68 = arith.addi %mul3A_36, %mul3A_67 : i32
      %add3A_69 = arith.constant 0 : i32
      %add3A_70 = arith.addi %add3A_68, %add3A_69 : i32
      %mul3A_71 = arith.constant 20 : i32
      %mul3A_72 = arith.muli %scan3A_65, %mul3A_71 : i32
      %add3A_73 = arith.constant 0 : i32
      %add3A_74 = arith.addi %mul3A_72, %add3A_73 : i32
      %dma_start3A_75 = arith.constant 0 : i32
      %dma_start3A_76 = tpu.memref_slice %arg8[%add3A_74, %dma_start3A_75] : memref<40x128xf32, #tpu.memory_space<vmem>> -> memref<1x128xf32, #tpu.memory_space<vmem>>
      %dma_start3A_77 = tpu.memref_squeeze %dma_start3A_76 : memref<1x128xf32, #tpu.memory_space<vmem>> -> memref<128xf32, #tpu.memory_space<vmem>>
      %dma_start3A_78 = arith.constant 0 : i32
      %dma_start3A_79 = tpu.memref_slice %arg5[%add3A_70, %dma_start3A_78] : memref<80x128xi32, #tpu.memory_space<vmem>> -> memref<1x128xi32, #tpu.memory_space<vmem>>
      %dma_start3A_80 = tpu.memref_squeeze %dma_start3A_79 : memref<1x128xi32, #tpu.memory_space<vmem>> -> memref<128xi32, #tpu.memory_space<vmem>>
      %dma_start3A_81 = arith.constant 0 : i32
      %dma_start3A_82 = tpu.memref_slice %arg10[%dma_start3A_81] : memref<10240xf32, #tpu.memory_space<vmem_shared>> -> memref<10240xf32, #tpu.memory_space<vmem_shared>>
      tpu.enqueue_indirect_dma source(%dma_start3A_82 : memref<10240xf32, #tpu.memory_space<vmem_shared>>) target(%dma_start3A_77 : memref<128xf32, #tpu.memory_space<vmem>>) offsets(%dma_start3A_80 : memref<128xi32, #tpu.memory_space<vmem>>) semaphore(%arg11 : memref<!tpu.dma_semaphore, #tpu.memory_space<semaphore_mem>>)
      %mul3A_83 = arith.constant 20 : i32
      %mul3A_84 = arith.muli %scan3A_65, %mul3A_83 : i32
      %add3A_85 = arith.addi %mul3A_36, %mul3A_84 : i32
      %add3A_86 = arith.constant 1 : i32
      %add3A_87 = arith.addi %add3A_85, %add3A_86 : i32
      %mul3A_88 = arith.constant 20 : i32
      %mul3A_89 = arith.muli %scan3A_65, %mul3A_88 : i32
      %add3A_90 = arith.constant 1 : i32
      %add3A_91 = arith.addi %mul3A_89, %add3A_90 : i32
      %dma_start3A_92 = arith.constant 0 : i32
      %dma_start3A_93 = tpu.memref_slice %arg8[%add3A_91, %dma_start3A_92] : memref<40x128xf32, #tpu.memory_space<vmem>> -> memref<1x128xf32, #tpu.memory_space<vmem>>
      %dma_start3A_94 = tpu.memref_squeeze %dma_start3A_93 : memref<1x128xf32, #tpu.memory_space<vmem>> -> memref<128xf32, #tpu.memory_space<vmem>>
      %dma_start3A_95 = arith.constant 0 : i32
      %dma_start3A_96 = tpu.memref_slice %arg5[%add3A_87, %dma_start3A_95] : memref<80x128xi32, #tpu.memory_space<vmem>> -> memref<1x128xi32, #tpu.memory_space<vmem>>
      %dma_start3A_97 = tpu.memref_squeeze %dma_start3A_96 : memref<1x128xi32, #tpu.memory_space<vmem>> -> memref<128xi32, #tpu.memory_space<vmem>>
      %dma_start3A_98 = arith.constant 0 : i32
      %dma_start3A_99 = tpu.memref_slice %arg10[%dma_start3A_98] : memref<10240xf32, #tpu.memory_space<vmem_shared>> -> memref<10240xf32, #tpu.memory_space<vmem_shared>>
      tpu.enqueue_indirect_dma source(%dma_start3A_99 : memref<10240xf32, #tpu.memory_space<vmem_shared>>) target(%dma_start3A_94 : memref<128xf32, #tpu.memory_space<vmem>>) offsets(%dma_start3A_97 : memref<128xi32, #tpu.memory_space<vmem>>) semaphore(%arg11 : memref<!tpu.dma_semaphore, #tpu.memory_space<semaphore_mem>>)
      %mul3A_100 = arith.constant 20 : i32
      %mul3A_101 = arith.muli %scan3A_65, %mul3A_100 : i32
      %add3A_102 = arith.addi %mul3A_36, %mul3A_101 : i32
      %add3A_103 = arith.constant 2 : i32
      %add3A_104 = arith.addi %add3A_102, %add3A_103 : i32
      %mul3A_105 = arith.constant 20 : i32
      %mul3A_106 = arith.muli %scan3A_65, %mul3A_105 : i32
      %add3A_107 = arith.constant 2 : i32
      %add3A_108 = arith.addi %mul3A_106, %add3A_107 : i32
      %dma_start3A_109 = arith.constant 0 : i32
      %dma_start3A_110 = tpu.memref_slice %arg8[%add3A_108, %dma_start3A_109] : memref<40x128xf32, #tpu.memory_space<vmem>> -> memref<1x128xf32, #tpu.memory_space<vmem>>
      %dma_start3A_111 = tpu.memref_squeeze %dma_start3A_110 : memref<1x128xf32, #tpu.memory_space<vmem>> -> memref<128xf32, #tpu.memory_space<vmem>>
      %dma_start3A_112 = arith.constant 0 : i32
      %dma_start3A_113 = tpu.memref_slice %arg5[%add3A_104, %dma_start3A_112] : memref<80x128xi32, #tpu.memory_space<vmem>> -> memref<1x128xi32, #tpu.memory_space<vmem>>
      %dma_start3A_114 = tpu.memref_squeeze %dma_start3A_113 : memref<1x128xi32, #tpu.memory_space<vmem>> -> memref<128xi32, #tpu.memory_space<vmem>>
      %dma_start3A_115 = arith.constant 0 : i32
      %dma_start3A_116 = tpu.memref_slice %arg10[%dma_start3A_115] : memref<10240xf32, #tpu.memory_space<vmem_shared>> -> memref<10240xf32, #tpu.memory_space<vmem_shared>>
      tpu.enqueue_indirect_dma source(%dma_start3A_116 : memref<10240xf32, #tpu.memory_space<vmem_shared>>) target(%dma_start3A_111 : memref<128xf32, #tpu.memory_space<vmem>>) offsets(%dma_start3A_114 : memref<128xi32, #tpu.memory_space<vmem>>) semaphore(%arg11 : memref<!tpu.dma_semaphore, #tpu.memory_space<semaphore_mem>>)
      %mul3A_117 = arith.constant 20 : i32
      %mul3A_118 = arith.muli %scan3A_65, %mul3A_117 : i32
      %add3A_119 = arith.addi %mul3A_36, %mul3A_118 : i32
      %add3A_120 = arith.constant 3 : i32
      %add3A_121 = arith.addi %add3A_119, %add3A_120 : i32
      %mul3A_122 = arith.constant 20 : i32
      %mul3A_123 = arith.muli %scan3A_65, %mul3A_122 : i32
      %add3A_124 = arith.constant 3 : i32
      %add3A_125 = arith.addi %mul3A_123, %add3A_124 : i32
      %dma_start3A_126 = arith.constant 0 : i32
      %dma_start3A_127 = tpu.memref_slice %arg8[%add3A_125, %dma_start3A_126] : memref<40x128xf32, #tpu.memory_space<vmem>> -> memref<1x128xf32, #tpu.memory_space<vmem>>
      %dma_start3A_128 = tpu.memref_squeeze %dma_start3A_127 : memref<1x128xf32, #tpu.memory_space<vmem>> -> memref<128xf32, #tpu.memory_space<vmem>>
      %dma_start3A_129 = arith.constant 0 : i32
      %dma_start3A_130 = tpu.memref_slice %arg5[%add3A_121, %dma_start3A_129] : memref<80x128xi32, #tpu.memory_space<vmem>> -> memref<1x128xi32, #tpu.memory_space<vmem>>
      %dma_start3A_131 = tpu.memref_squeeze %dma_start3A_130 : memref<1x128xi32, #tpu.memory_space<vmem>> -> memref<128xi32, #tpu.memory_space<vmem>>
      %dma_start3A_132 = arith.constant 0 : i32
      %dma_start3A_133 = tpu.memref_slice %arg10[%dma_start3A_132] : memref<10240xf32, #tpu.memory_space<vmem_shared>> -> memref<10240xf32, #tpu.memory_space<vmem_shared>>
      tpu.enqueue_indirect_dma source(%dma_start3A_133 : memref<10240xf32, #tpu.memory_space<vmem_shared>>) target(%dma_start3A_128 : memref<128xf32, #tpu.memory_space<vmem>>) offsets(%dma_start3A_131 : memref<128xi32, #tpu.memory_space<vmem>>) semaphore(%arg11 : memref<!tpu.dma_semaphore, #tpu.memory_space<semaphore_mem>>)
      %mul3A_134 = arith.constant 20 : i32
      %mul3A_135 = arith.muli %scan3A_65, %mul3A_134 : i32
      %add3A_136 = arith.addi %mul3A_36, %mul3A_135 : i32
      %add3A_137 = arith.constant 4 : i32
      %add3A_138 = arith.addi %add3A_136, %add3A_137 : i32
      %mul3A_139 = arith.constant 20 : i32
      %mul3A_140 = arith.muli %scan3A_65, %mul3A_139 : i32
      %add3A_141 = arith.constant 4 : i32
      %add3A_142 = arith.addi %mul3A_140, %add3A_141 : i32
      %dma_start3A_143 = arith.constant 0 : i32
      %dma_start3A_144 = tpu.memref_slice %arg8[%add3A_142, %dma_start3A_143] : memref<40x128xf32, #tpu.memory_space<vmem>> -> memref<1x128xf32, #tpu.memory_space<vmem>>
      %dma_start3A_145 = tpu.memref_squeeze %dma_start3A_144 : memref<1x128xf32, #tpu.memory_space<vmem>> -> memref<128xf32, #tpu.memory_space<vmem>>
      %dma_start3A_146 = arith.constant 0 : i32
      %dma_start3A_147 = tpu.memref_slice %arg5[%add3A_138, %dma_start3A_146] : memref<80x128xi32, #tpu.memory_space<vmem>> -> memref<1x128xi32, #tpu.memory_space<vmem>>
      %dma_start3A_148 = tpu.memref_squeeze %dma_start3A_147 : memref<1x128xi32, #tpu.memory_space<vmem>> -> memref<128xi32, #tpu.memory_space<vmem>>
      %dma_start3A_149 = arith.constant 0 : i32
      %dma_start3A_150 = tpu.memref_slice %arg10[%dma_start3A_149] : memref<10240xf32, #tpu.memory_space<vmem_shared>> -> memref<10240xf32, #tpu.memory_space<vmem_shared>>
      tpu.enqueue_indirect_dma source(%dma_start3A_150 : memref<10240xf32, #tpu.memory_space<vmem_shared>>) target(%dma_start3A_145 : memref<128xf32, #tpu.memory_space<vmem>>) offsets(%dma_start3A_148 : memref<128xi32, #tpu.memory_space<vmem>>) semaphore(%arg11 : memref<!tpu.dma_semaphore, #tpu.memory_space<semaphore_mem>>)
      %mul3A_151 = arith.constant 20 : i32
      %mul3A_152 = arith.muli %scan3A_65, %mul3A_151 : i32
      %add3A_153 = arith.addi %mul3A_36, %mul3A_152 : i32
      %add3A_154 = arith.constant 5 : i32
      %add3A_155 = arith.addi %add3A_153, %add3A_154 : i32
      %mul3A_156 = arith.constant 20 : i32
      %mul3A_157 = arith.muli %scan3A_65, %mul3A_156 : i32
      %add3A_158 = arith.constant 5 : i32
      %add3A_159 = arith.addi %mul3A_157, %add3A_158 : i32
      %dma_start3A_160 = arith.constant 0 : i32
      %dma_start3A_161 = tpu.memref_slice %arg8[%add3A_159, %dma_start3A_160] : memref<40x128xf32, #tpu.memory_space<vmem>> -> memref<1x128xf32, #tpu.memory_space<vmem>>
      %dma_start3A_162 = tpu.memref_squeeze %dma_start3A_161 : memref<1x128xf32, #tpu.memory_space<vmem>> -> memref<128xf32, #tpu.memory_space<vmem>>
      %dma_start3A_163 = arith.constant 0 : i32
      %dma_start3A_164 = tpu.memref_slice %arg5[%add3A_155, %dma_start3A_163] : memref<80x128xi32, #tpu.memory_space<vmem>> -> memref<1x128xi32, #tpu.memory_space<vmem>>
      %dma_start3A_165 = tpu.memref_squeeze %dma_start3A_164 : memref<1x128xi32, #tpu.memory_space<vmem>> -> memref<128xi32, #tpu.memory_space<vmem>>
      %dma_start3A_166 = arith.constant 0 : i32
      %dma_start3A_167 = tpu.memref_slice %arg10[%dma_start3A_166] : memref<10240xf32, #tpu.memory_space<vmem_shared>> -> memref<10240xf32, #tpu.memory_space<vmem_shared>>
      tpu.enqueue_indirect_dma source(%dma_start3A_167 : memref<10240xf32, #tpu.memory_space<vmem_shared>>) target(%dma_start3A_162 : memref<128xf32, #tpu.memory_space<vmem>>) offsets(%dma_start3A_165 : memref<128xi32, #tpu.memory_space<vmem>>) semaphore(%arg11 : memref<!tpu.dma_semaphore, #tpu.memory_space<semaphore_mem>>)
      %mul3A_168 = arith.constant 20 : i32
      %mul3A_169 = arith.muli %scan3A_65, %mul3A_168 : i32
      %add3A_170 = arith.addi %mul3A_36, %mul3A_169 : i32
      %add3A_171 = arith.constant 6 : i32
      %add3A_172 = arith.addi %add3A_170, %add3A_171 : i32
      %mul3A_173 = arith.constant 20 : i32
      %mul3A_174 = arith.muli %scan3A_65, %mul3A_173 : i32
      %add3A_175 = arith.constant 6 : i32
      %add3A_176 = arith.addi %mul3A_174, %add3A_175 : i32
      %dma_start3A_177 = arith.constant 0 : i32
      %dma_start3A_178 = tpu.memref_slice %arg8[%add3A_176, %dma_start3A_177] : memref<40x128xf32, #tpu.memory_space<vmem>> -> memref<1x128xf32, #tpu.memory_space<vmem>>
      %dma_start3A_179 = tpu.memref_squeeze %dma_start3A_178 : memref<1x128xf32, #tpu.memory_space<vmem>> -> memref<128xf32, #tpu.memory_space<vmem>>
      %dma_start3A_180 = arith.constant 0 : i32
      %dma_start3A_181 = tpu.memref_slice %arg5[%add3A_172, %dma_start3A_180] : memref<80x128xi32, #tpu.memory_space<vmem>> -> memref<1x128xi32, #tpu.memory_space<vmem>>
      %dma_start3A_182 = tpu.memref_squeeze %dma_start3A_181 : memref<1x128xi32, #tpu.memory_space<vmem>> -> memref<128xi32, #tpu.memory_space<vmem>>
      %dma_start3A_183 = arith.constant 0 : i32
      %dma_start3A_184 = tpu.memref_slice %arg10[%dma_start3A_183] : memref<10240xf32, #tpu.memory_space<vmem_shared>> -> memref<10240xf32, #tpu.memory_space<vmem_shared>>
      tpu.enqueue_indirect_dma source(%dma_start3A_184 : memref<10240xf32, #tpu.memory_space<vmem_shared>>) target(%dma_start3A_179 : memref<128xf32, #tpu.memory_space<vmem>>) offsets(%dma_start3A_182 : memref<128xi32, #tpu.memory_space<vmem>>) semaphore(%arg11 : memref<!tpu.dma_semaphore, #tpu.memory_space<semaphore_mem>>)
      %mul3A_185 = arith.constant 20 : i32
      %mul3A_186 = arith.muli %scan3A_65, %mul3A_185 : i32
      %add3A_187 = arith.addi %mul3A_36, %mul3A_186 : i32
      %add3A_188 = arith.constant 7 : i32
      %add3A_189 = arith.addi %add3A_187, %add3A_188 : i32
      %mul3A_190 = arith.constant 20 : i32
      %mul3A_191 = arith.muli %scan3A_65, %mul3A_190 : i32
      %add3A_192 = arith.constant 7 : i32
      %add3A_193 = arith.addi %mul3A_191, %add3A_192 : i32
      %dma_start3A_194 = arith.constant 0 : i32
      %dma_start3A_195 = tpu.memref_slice %arg8[%add3A_193, %dma_start3A_194] : memref<40x128xf32, #tpu.memory_space<vmem>> -> memref<1x128xf32, #tpu.memory_space<vmem>>
      %dma_start3A_196 = tpu.memref_squeeze %dma_start3A_195 : memref<1x128xf32, #tpu.memory_space<vmem>> -> memref<128xf32, #tpu.memory_space<vmem>>
      %dma_start3A_197 = arith.constant 0 : i32
      %dma_start3A_198 = tpu.memref_slice %arg5[%add3A_189, %dma_start3A_197] : memref<80x128xi32, #tpu.memory_space<vmem>> -> memref<1x128xi32, #tpu.memory_space<vmem>>
      %dma_start3A_199 = tpu.memref_squeeze %dma_start3A_198 : memref<1x128xi32, #tpu.memory_space<vmem>> -> memref<128xi32, #tpu.memory_space<vmem>>
      %dma_start3A_200 = arith.constant 0 : i32
      %dma_start3A_201 = tpu.memref_slice %arg10[%dma_start3A_200] : memref<10240xf32, #tpu.memory_space<vmem_shared>> -> memref<10240xf32, #tpu.memory_space<vmem_shared>>
      tpu.enqueue_indirect_dma source(%dma_start3A_201 : memref<10240xf32, #tpu.memory_space<vmem_shared>>) target(%dma_start3A_196 : memref<128xf32, #tpu.memory_space<vmem>>) offsets(%dma_start3A_199 : memref<128xi32, #tpu.memory_space<vmem>>) semaphore(%arg11 : memref<!tpu.dma_semaphore, #tpu.memory_space<semaphore_mem>>)
      %mul3A_202 = arith.constant 20 : i32
      %mul3A_203 = arith.muli %scan3A_65, %mul3A_202 : i32
      %add3A_204 = arith.addi %mul3A_36, %mul3A_203 : i32
      %add3A_205 = arith.constant 8 : i32
      %add3A_206 = arith.addi %add3A_204, %add3A_205 : i32
      %mul3A_207 = arith.constant 20 : i32
      %mul3A_208 = arith.muli %scan3A_65, %mul3A_207 : i32
      %add3A_209 = arith.constant 8 : i32
      %add3A_210 = arith.addi %mul3A_208, %add3A_209 : i32
      %dma_start3A_211 = arith.constant 0 : i32
      %dma_start3A_212 = tpu.memref_slice %arg8[%add3A_210, %dma_start3A_211] : memref<40x128xf32, #tpu.memory_space<vmem>> -> memref<1x128xf32, #tpu.memory_space<vmem>>
      %dma_start3A_213 = tpu.memref_squeeze %dma_start3A_212 : memref<1x128xf32, #tpu.memory_space<vmem>> -> memref<128xf32, #tpu.memory_space<vmem>>
      %dma_start3A_214 = arith.constant 0 : i32
      %dma_start3A_215 = tpu.memref_slice %arg5[%add3A_206, %dma_start3A_214] : memref<80x128xi32, #tpu.memory_space<vmem>> -> memref<1x128xi32, #tpu.memory_space<vmem>>
      %dma_start3A_216 = tpu.memref_squeeze %dma_start3A_215 : memref<1x128xi32, #tpu.memory_space<vmem>> -> memref<128xi32, #tpu.memory_space<vmem>>
      %dma_start3A_217 = arith.constant 0 : i32
      %dma_start3A_218 = tpu.memref_slice %arg10[%dma_start3A_217] : memref<10240xf32, #tpu.memory_space<vmem_shared>> -> memref<10240xf32, #tpu.memory_space<vmem_shared>>
      tpu.enqueue_indirect_dma source(%dma_start3A_218 : memref<10240xf32, #tpu.memory_space<vmem_shared>>) target(%dma_start3A_213 : memref<128xf32, #tpu.memory_space<vmem>>) offsets(%dma_start3A_216 : memref<128xi32, #tpu.memory_space<vmem>>) semaphore(%arg11 : memref<!tpu.dma_semaphore, #tpu.memory_space<semaphore_mem>>)
      %mul3A_219 = arith.constant 20 : i32
      %mul3A_220 = arith.muli %scan3A_65, %mul3A_219 : i32
      %add3A_221 = arith.addi %mul3A_36, %mul3A_220 : i32
      %add3A_222 = arith.constant 9 : i32
      %add3A_223 = arith.addi %add3A_221, %add3A_222 : i32
      %mul3A_224 = arith.constant 20 : i32
      %mul3A_225 = arith.muli %scan3A_65, %mul3A_224 : i32
      %add3A_226 = arith.constant 9 : i32
      %add3A_227 = arith.addi %mul3A_225, %add3A_226 : i32
      %dma_start3A_228 = arith.constant 0 : i32
      %dma_start3A_229 = tpu.memref_slice %arg8[%add3A_227, %dma_start3A_228] : memref<40x128xf32, #tpu.memory_space<vmem>> -> memref<1x128xf32, #tpu.memory_space<vmem>>
      %dma_start3A_230 = tpu.memref_squeeze %dma_start3A_229 : memref<1x128xf32, #tpu.memory_space<vmem>> -> memref<128xf32, #tpu.memory_space<vmem>>
      %dma_start3A_231 = arith.constant 0 : i32
      %dma_start3A_232 = tpu.memref_slice %arg5[%add3A_223, %dma_start3A_231] : memref<80x128xi32, #tpu.memory_space<vmem>> -> memref<1x128xi32, #tpu.memory_space<vmem>>
      %dma_start3A_233 = tpu.memref_squeeze %dma_start3A_232 : memref<1x128xi32, #tpu.memory_space<vmem>> -> memref<128xi32, #tpu.memory_space<vmem>>
      %dma_start3A_234 = arith.constant 0 : i32
      %dma_start3A_235 = tpu.memref_slice %arg10[%dma_start3A_234] : memref<10240xf32, #tpu.memory_space<vmem_shared>> -> memref<10240xf32, #tpu.memory_space<vmem_shared>>
      tpu.enqueue_indirect_dma source(%dma_start3A_235 : memref<10240xf32, #tpu.memory_space<vmem_shared>>) target(%dma_start3A_230 : memref<128xf32, #tpu.memory_space<vmem>>) offsets(%dma_start3A_233 : memref<128xi32, #tpu.memory_space<vmem>>) semaphore(%arg11 : memref<!tpu.dma_semaphore, #tpu.memory_space<semaphore_mem>>)
      %mul3A_236 = arith.constant 20 : i32
      %mul3A_237 = arith.muli %scan3A_65, %mul3A_236 : i32
      %add3A_238 = arith.addi %mul3A_36, %mul3A_237 : i32
      %add3A_239 = arith.constant 10 : i32
      %add3A_240 = arith.addi %add3A_238, %add3A_239 : i32
      %mul3A_241 = arith.constant 20 : i32
      %mul3A_242 = arith.muli %scan3A_65, %mul3A_241 : i32
      %add3A_243 = arith.constant 10 : i32
      %add3A_244 = arith.addi %mul3A_242, %add3A_243 : i32
      %dma_start3A_245 = arith.constant 0 : i32
      %dma_start3A_246 = tpu.memref_slice %arg8[%add3A_244, %dma_start3A_245] : memref<40x128xf32, #tpu.memory_space<vmem>> -> memref<1x128xf32, #tpu.memory_space<vmem>>
      %dma_start3A_247 = tpu.memref_squeeze %dma_start3A_246 : memref<1x128xf32, #tpu.memory_space<vmem>> -> memref<128xf32, #tpu.memory_space<vmem>>
      %dma_start3A_248 = arith.constant 0 : i32
      %dma_start3A_249 = tpu.memref_slice %arg5[%add3A_240, %dma_start3A_248] : memref<80x128xi32, #tpu.memory_space<vmem>> -> memref<1x128xi32, #tpu.memory_space<vmem>>
      %dma_start3A_250 = tpu.memref_squeeze %dma_start3A_249 : memref<1x128xi32, #tpu.memory_space<vmem>> -> memref<128xi32, #tpu.memory_space<vmem>>
      %dma_start3A_251 = arith.constant 0 : i32
      %dma_start3A_252 = tpu.memref_slice %arg10[%dma_start3A_251] : memref<10240xf32, #tpu.memory_space<vmem_shared>> -> memref<10240xf32, #tpu.memory_space<vmem_shared>>
      tpu.enqueue_indirect_dma source(%dma_start3A_252 : memref<10240xf32, #tpu.memory_space<vmem_shared>>) target(%dma_start3A_247 : memref<128xf32, #tpu.memory_space<vmem>>) offsets(%dma_start3A_250 : memref<128xi32, #tpu.memory_space<vmem>>) semaphore(%arg11 : memref<!tpu.dma_semaphore, #tpu.memory_space<semaphore_mem>>)
      %mul3A_253 = arith.constant 20 : i32
      %mul3A_254 = arith.muli %scan3A_65, %mul3A_253 : i32
      %add3A_255 = arith.addi %mul3A_36, %mul3A_254 : i32
      %add3A_256 = arith.constant 11 : i32
      %add3A_257 = arith.addi %add3A_255, %add3A_256 : i32
      %mul3A_258 = arith.constant 20 : i32
      %mul3A_259 = arith.muli %scan3A_65, %mul3A_258 : i32
      %add3A_260 = arith.constant 11 : i32
      %add3A_261 = arith.addi %mul3A_259, %add3A_260 : i32
      %dma_start3A_262 = arith.constant 0 : i32
      %dma_start3A_263 = tpu.memref_slice %arg8[%add3A_261, %dma_start3A_262] : memref<40x128xf32, #tpu.memory_space<vmem>> -> memref<1x128xf32, #tpu.memory_space<vmem>>
      %dma_start3A_264 = tpu.memref_squeeze %dma_start3A_263 : memref<1x128xf32, #tpu.memory_space<vmem>> -> memref<128xf32, #tpu.memory_space<vmem>>
      %dma_start3A_265 = arith.constant 0 : i32
      %dma_start3A_266 = tpu.memref_slice %arg5[%add3A_257, %dma_start3A_265] : memref<80x128xi32, #tpu.memory_space<vmem>> -> memref<1x128xi32, #tpu.memory_space<vmem>>
      %dma_start3A_267 = tpu.memref_squeeze %dma_start3A_266 : memref<1x128xi32, #tpu.memory_space<vmem>> -> memref<128xi32, #tpu.memory_space<vmem>>
      %dma_start3A_268 = arith.constant 0 : i32
      %dma_start3A_269 = tpu.memref_slice %arg10[%dma_start3A_268] : memref<10240xf32, #tpu.memory_space<vmem_shared>> -> memref<10240xf32, #tpu.memory_space<vmem_shared>>
      tpu.enqueue_indirect_dma source(%dma_start3A_269 : memref<10240xf32, #tpu.memory_space<vmem_shared>>) target(%dma_start3A_264 : memref<128xf32, #tpu.memory_space<vmem>>) offsets(%dma_start3A_267 : memref<128xi32, #tpu.memory_space<vmem>>) semaphore(%arg11 : memref<!tpu.dma_semaphore, #tpu.memory_space<semaphore_mem>>)
      %mul3A_270 = arith.constant 20 : i32
      %mul3A_271 = arith.muli %scan3A_65, %mul3A_270 : i32
      %add3A_272 = arith.addi %mul3A_36, %mul3A_271 : i32
      %add3A_273 = arith.constant 12 : i32
      %add3A_274 = arith.addi %add3A_272, %add3A_273 : i32
      %mul3A_275 = arith.constant 20 : i32
      %mul3A_276 = arith.muli %scan3A_65, %mul3A_275 : i32
      %add3A_277 = arith.constant 12 : i32
      %add3A_278 = arith.addi %mul3A_276, %add3A_277 : i32
      %dma_start3A_279 = arith.constant 0 : i32
      %dma_start3A_280 = tpu.memref_slice %arg8[%add3A_278, %dma_start3A_279] : memref<40x128xf32, #tpu.memory_space<vmem>> -> memref<1x128xf32, #tpu.memory_space<vmem>>
      %dma_start3A_281 = tpu.memref_squeeze %dma_start3A_280 : memref<1x128xf32, #tpu.memory_space<vmem>> -> memref<128xf32, #tpu.memory_space<vmem>>
      %dma_start3A_282 = arith.constant 0 : i32
      %dma_start3A_283 = tpu.memref_slice %arg5[%add3A_274, %dma_start3A_282] : memref<80x128xi32, #tpu.memory_space<vmem>> -> memref<1x128xi32, #tpu.memory_space<vmem>>
      %dma_start3A_284 = tpu.memref_squeeze %dma_start3A_283 : memref<1x128xi32, #tpu.memory_space<vmem>> -> memref<128xi32, #tpu.memory_space<vmem>>
      %dma_start3A_285 = arith.constant 0 : i32
      %dma_start3A_286 = tpu.memref_slice %arg10[%dma_start3A_285] : memref<10240xf32, #tpu.memory_space<vmem_shared>> -> memref<10240xf32, #tpu.memory_space<vmem_shared>>
      tpu.enqueue_indirect_dma source(%dma_start3A_286 : memref<10240xf32, #tpu.memory_space<vmem_shared>>) target(%dma_start3A_281 : memref<128xf32, #tpu.memory_space<vmem>>) offsets(%dma_start3A_284 : memref<128xi32, #tpu.memory_space<vmem>>) semaphore(%arg11 : memref<!tpu.dma_semaphore, #tpu.memory_space<semaphore_mem>>)
      %mul3A_287 = arith.constant 20 : i32
      %mul3A_288 = arith.muli %scan3A_65, %mul3A_287 : i32
      %add3A_289 = arith.addi %mul3A_36, %mul3A_288 : i32
      %add3A_290 = arith.constant 13 : i32
      %add3A_291 = arith.addi %add3A_289, %add3A_290 : i32
      %mul3A_292 = arith.constant 20 : i32
      %mul3A_293 = arith.muli %scan3A_65, %mul3A_292 : i32
      %add3A_294 = arith.constant 13 : i32
      %add3A_295 = arith.addi %mul3A_293, %add3A_294 : i32
      %dma_start3A_296 = arith.constant 0 : i32
      %dma_start3A_297 = tpu.memref_slice %arg8[%add3A_295, %dma_start3A_296] : memref<40x128xf32, #tpu.memory_space<vmem>> -> memref<1x128xf32, #tpu.memory_space<vmem>>
      %dma_start3A_298 = tpu.memref_squeeze %dma_start3A_297 : memref<1x128xf32, #tpu.memory_space<vmem>> -> memref<128xf32, #tpu.memory_space<vmem>>
      %dma_start3A_299 = arith.constant 0 : i32
      %dma_start3A_300 = tpu.memref_slice %arg5[%add3A_291, %dma_start3A_299] : memref<80x128xi32, #tpu.memory_space<vmem>> -> memref<1x128xi32, #tpu.memory_space<vmem>>
      %dma_start3A_301 = tpu.memref_squeeze %dma_start3A_300 : memref<1x128xi32, #tpu.memory_space<vmem>> -> memref<128xi32, #tpu.memory_space<vmem>>
      %dma_start3A_302 = arith.constant 0 : i32
      %dma_start3A_303 = tpu.memref_slice %arg10[%dma_start3A_302] : memref<10240xf32, #tpu.memory_space<vmem_shared>> -> memref<10240xf32, #tpu.memory_space<vmem_shared>>
      tpu.enqueue_indirect_dma source(%dma_start3A_303 : memref<10240xf32, #tpu.memory_space<vmem_shared>>) target(%dma_start3A_298 : memref<128xf32, #tpu.memory_space<vmem>>) offsets(%dma_start3A_301 : memref<128xi32, #tpu.memory_space<vmem>>) semaphore(%arg11 : memref<!tpu.dma_semaphore, #tpu.memory_space<semaphore_mem>>)
      %mul3A_304 = arith.constant 20 : i32
      %mul3A_305 = arith.muli %scan3A_65, %mul3A_304 : i32
      %add3A_306 = arith.addi %mul3A_36, %mul3A_305 : i32
      %add3A_307 = arith.constant 14 : i32
      %add3A_308 = arith.addi %add3A_306, %add3A_307 : i32
      %mul3A_309 = arith.constant 20 : i32
      %mul3A_310 = arith.muli %scan3A_65, %mul3A_309 : i32
      %add3A_311 = arith.constant 14 : i32
      %add3A_312 = arith.addi %mul3A_310, %add3A_311 : i32
      %dma_start3A_313 = arith.constant 0 : i32
      %dma_start3A_314 = tpu.memref_slice %arg8[%add3A_312, %dma_start3A_313] : memref<40x128xf32, #tpu.memory_space<vmem>> -> memref<1x128xf32, #tpu.memory_space<vmem>>
      %dma_start3A_315 = tpu.memref_squeeze %dma_start3A_314 : memref<1x128xf32, #tpu.memory_space<vmem>> -> memref<128xf32, #tpu.memory_space<vmem>>
      %dma_start3A_316 = arith.constant 0 : i32
      %dma_start3A_317 = tpu.memref_slice %arg5[%add3A_308, %dma_start3A_316] : memref<80x128xi32, #tpu.memory_space<vmem>> -> memref<1x128xi32, #tpu.memory_space<vmem>>
      %dma_start3A_318 = tpu.memref_squeeze %dma_start3A_317 : memref<1x128xi32, #tpu.memory_space<vmem>> -> memref<128xi32, #tpu.memory_space<vmem>>
      %dma_start3A_319 = arith.constant 0 : i32
      %dma_start3A_320 = tpu.memref_slice %arg10[%dma_start3A_319] : memref<10240xf32, #tpu.memory_space<vmem_shared>> -> memref<10240xf32, #tpu.memory_space<vmem_shared>>
      tpu.enqueue_indirect_dma source(%dma_start3A_320 : memref<10240xf32, #tpu.memory_space<vmem_shared>>) target(%dma_start3A_315 : memref<128xf32, #tpu.memory_space<vmem>>) offsets(%dma_start3A_318 : memref<128xi32, #tpu.memory_space<vmem>>) semaphore(%arg11 : memref<!tpu.dma_semaphore, #tpu.memory_space<semaphore_mem>>)
      %mul3A_321 = arith.constant 20 : i32
      %mul3A_322 = arith.muli %scan3A_65, %mul3A_321 : i32
      %add3A_323 = arith.addi %mul3A_36, %mul3A_322 : i32
      %add3A_324 = arith.constant 15 : i32
      %add3A_325 = arith.addi %add3A_323, %add3A_324 : i32
      %mul3A_326 = arith.constant 20 : i32
      %mul3A_327 = arith.muli %scan3A_65, %mul3A_326 : i32
      %add3A_328 = arith.constant 15 : i32
      %add3A_329 = arith.addi %mul3A_327, %add3A_328 : i32
      %dma_start3A_330 = arith.constant 0 : i32
      %dma_start3A_331 = tpu.memref_slice %arg8[%add3A_329, %dma_start3A_330] : memref<40x128xf32, #tpu.memory_space<vmem>> -> memref<1x128xf32, #tpu.memory_space<vmem>>
      %dma_start3A_332 = tpu.memref_squeeze %dma_start3A_331 : memref<1x128xf32, #tpu.memory_space<vmem>> -> memref<128xf32, #tpu.memory_space<vmem>>
      %dma_start3A_333 = arith.constant 0 : i32
      %dma_start3A_334 = tpu.memref_slice %arg5[%add3A_325, %dma_start3A_333] : memref<80x128xi32, #tpu.memory_space<vmem>> -> memref<1x128xi32, #tpu.memory_space<vmem>>
      %dma_start3A_335 = tpu.memref_squeeze %dma_start3A_334 : memref<1x128xi32, #tpu.memory_space<vmem>> -> memref<128xi32, #tpu.memory_space<vmem>>
      %dma_start3A_336 = arith.constant 0 : i32
      %dma_start3A_337 = tpu.memref_slice %arg10[%dma_start3A_336] : memref<10240xf32, #tpu.memory_space<vmem_shared>> -> memref<10240xf32, #tpu.memory_space<vmem_shared>>
      tpu.enqueue_indirect_dma source(%dma_start3A_337 : memref<10240xf32, #tpu.memory_space<vmem_shared>>) target(%dma_start3A_332 : memref<128xf32, #tpu.memory_space<vmem>>) offsets(%dma_start3A_335 : memref<128xi32, #tpu.memory_space<vmem>>) semaphore(%arg11 : memref<!tpu.dma_semaphore, #tpu.memory_space<semaphore_mem>>)
      %mul3A_338 = arith.constant 20 : i32
      %mul3A_339 = arith.muli %scan3A_65, %mul3A_338 : i32
      %add3A_340 = arith.addi %mul3A_36, %mul3A_339 : i32
      %add3A_341 = arith.constant 16 : i32
      %add3A_342 = arith.addi %add3A_340, %add3A_341 : i32
      %mul3A_343 = arith.constant 20 : i32
      %mul3A_344 = arith.muli %scan3A_65, %mul3A_343 : i32
      %add3A_345 = arith.constant 16 : i32
      %add3A_346 = arith.addi %mul3A_344, %add3A_345 : i32
      %dma_start3A_347 = arith.constant 0 : i32
      %dma_start3A_348 = tpu.memref_slice %arg8[%add3A_346, %dma_start3A_347] : memref<40x128xf32, #tpu.memory_space<vmem>> -> memref<1x128xf32, #tpu.memory_space<vmem>>
      %dma_start3A_349 = tpu.memref_squeeze %dma_start3A_348 : memref<1x128xf32, #tpu.memory_space<vmem>> -> memref<128xf32, #tpu.memory_space<vmem>>
      %dma_start3A_350 = arith.constant 0 : i32
      %dma_start3A_351 = tpu.memref_slice %arg5[%add3A_342, %dma_start3A_350] : memref<80x128xi32, #tpu.memory_space<vmem>> -> memref<1x128xi32, #tpu.memory_space<vmem>>
      %dma_start3A_352 = tpu.memref_squeeze %dma_start3A_351 : memref<1x128xi32, #tpu.memory_space<vmem>> -> memref<128xi32, #tpu.memory_space<vmem>>
      %dma_start3A_353 = arith.constant 0 : i32
      %dma_start3A_354 = tpu.memref_slice %arg10[%dma_start3A_353] : memref<10240xf32, #tpu.memory_space<vmem_shared>> -> memref<10240xf32, #tpu.memory_space<vmem_shared>>
      tpu.enqueue_indirect_dma source(%dma_start3A_354 : memref<10240xf32, #tpu.memory_space<vmem_shared>>) target(%dma_start3A_349 : memref<128xf32, #tpu.memory_space<vmem>>) offsets(%dma_start3A_352 : memref<128xi32, #tpu.memory_space<vmem>>) semaphore(%arg11 : memref<!tpu.dma_semaphore, #tpu.memory_space<semaphore_mem>>)
      %mul3A_355 = arith.constant 20 : i32
      %mul3A_356 = arith.muli %scan3A_65, %mul3A_355 : i32
      %add3A_357 = arith.addi %mul3A_36, %mul3A_356 : i32
      %add3A_358 = arith.constant 17 : i32
      %add3A_359 = arith.addi %add3A_357, %add3A_358 : i32
      %mul3A_360 = arith.constant 20 : i32
      %mul3A_361 = arith.muli %scan3A_65, %mul3A_360 : i32
      %add3A_362 = arith.constant 17 : i32
      %add3A_363 = arith.addi %mul3A_361, %add3A_362 : i32
      %dma_start3A_364 = arith.constant 0 : i32
      %dma_start3A_365 = tpu.memref_slice %arg8[%add3A_363, %dma_start3A_364] : memref<40x128xf32, #tpu.memory_space<vmem>> -> memref<1x128xf32, #tpu.memory_space<vmem>>
      %dma_start3A_366 = tpu.memref_squeeze %dma_start3A_365 : memref<1x128xf32, #tpu.memory_space<vmem>> -> memref<128xf32, #tpu.memory_space<vmem>>
      %dma_start3A_367 = arith.constant 0 : i32
      %dma_start3A_368 = tpu.memref_slice %arg5[%add3A_359, %dma_start3A_367] : memref<80x128xi32, #tpu.memory_space<vmem>> -> memref<1x128xi32, #tpu.memory_space<vmem>>
      %dma_start3A_369 = tpu.memref_squeeze %dma_start3A_368 : memref<1x128xi32, #tpu.memory_space<vmem>> -> memref<128xi32, #tpu.memory_space<vmem>>
      %dma_start3A_370 = arith.constant 0 : i32
      %dma_start3A_371 = tpu.memref_slice %arg10[%dma_start3A_370] : memref<10240xf32, #tpu.memory_space<vmem_shared>> -> memref<10240xf32, #tpu.memory_space<vmem_shared>>
      tpu.enqueue_indirect_dma source(%dma_start3A_371 : memref<10240xf32, #tpu.memory_space<vmem_shared>>) target(%dma_start3A_366 : memref<128xf32, #tpu.memory_space<vmem>>) offsets(%dma_start3A_369 : memref<128xi32, #tpu.memory_space<vmem>>) semaphore(%arg11 : memref<!tpu.dma_semaphore, #tpu.memory_space<semaphore_mem>>)
      %mul3A_372 = arith.constant 20 : i32
      %mul3A_373 = arith.muli %scan3A_65, %mul3A_372 : i32
      %add3A_374 = arith.addi %mul3A_36, %mul3A_373 : i32
      %add3A_375 = arith.constant 18 : i32
      %add3A_376 = arith.addi %add3A_374, %add3A_375 : i32
      %mul3A_377 = arith.constant 20 : i32
      %mul3A_378 = arith.muli %scan3A_65, %mul3A_377 : i32
      %add3A_379 = arith.constant 18 : i32
      %add3A_380 = arith.addi %mul3A_378, %add3A_379 : i32
      %dma_start3A_381 = arith.constant 0 : i32
      %dma_start3A_382 = tpu.memref_slice %arg8[%add3A_380, %dma_start3A_381] : memref<40x128xf32, #tpu.memory_space<vmem>> -> memref<1x128xf32, #tpu.memory_space<vmem>>
      %dma_start3A_383 = tpu.memref_squeeze %dma_start3A_382 : memref<1x128xf32, #tpu.memory_space<vmem>> -> memref<128xf32, #tpu.memory_space<vmem>>
      %dma_start3A_384 = arith.constant 0 : i32
      %dma_start3A_385 = tpu.memref_slice %arg5[%add3A_376, %dma_start3A_384] : memref<80x128xi32, #tpu.memory_space<vmem>> -> memref<1x128xi32, #tpu.memory_space<vmem>>
      %dma_start3A_386 = tpu.memref_squeeze %dma_start3A_385 : memref<1x128xi32, #tpu.memory_space<vmem>> -> memref<128xi32, #tpu.memory_space<vmem>>
      %dma_start3A_387 = arith.constant 0 : i32
      %dma_start3A_388 = tpu.memref_slice %arg10[%dma_start3A_387] : memref<10240xf32, #tpu.memory_space<vmem_shared>> -> memref<10240xf32, #tpu.memory_space<vmem_shared>>
      tpu.enqueue_indirect_dma source(%dma_start3A_388 : memref<10240xf32, #tpu.memory_space<vmem_shared>>) target(%dma_start3A_383 : memref<128xf32, #tpu.memory_space<vmem>>) offsets(%dma_start3A_386 : memref<128xi32, #tpu.memory_space<vmem>>) semaphore(%arg11 : memref<!tpu.dma_semaphore, #tpu.memory_space<semaphore_mem>>)
      %mul3A_389 = arith.constant 20 : i32
      %mul3A_390 = arith.muli %scan3A_65, %mul3A_389 : i32
      %add3A_391 = arith.addi %mul3A_36, %mul3A_390 : i32
      %add3A_392 = arith.constant 19 : i32
      %add3A_393 = arith.addi %add3A_391, %add3A_392 : i32
      %mul3A_394 = arith.constant 20 : i32
      %mul3A_395 = arith.muli %scan3A_65, %mul3A_394 : i32
      %add3A_396 = arith.constant 19 : i32
      %add3A_397 = arith.addi %mul3A_395, %add3A_396 : i32
      %dma_start3A_398 = arith.constant 0 : i32
      %dma_start3A_399 = tpu.memref_slice %arg8[%add3A_397, %dma_start3A_398] : memref<40x128xf32, #tpu.memory_space<vmem>> -> memref<1x128xf32, #tpu.memory_space<vmem>>
      %dma_start3A_400 = tpu.memref_squeeze %dma_start3A_399 : memref<1x128xf32, #tpu.memory_space<vmem>> -> memref<128xf32, #tpu.memory_space<vmem>>
      %dma_start3A_401 = arith.constant 0 : i32
      %dma_start3A_402 = tpu.memref_slice %arg5[%add3A_393, %dma_start3A_401] : memref<80x128xi32, #tpu.memory_space<vmem>> -> memref<1x128xi32, #tpu.memory_space<vmem>>
      %dma_start3A_403 = tpu.memref_squeeze %dma_start3A_402 : memref<1x128xi32, #tpu.memory_space<vmem>> -> memref<128xi32, #tpu.memory_space<vmem>>
      %dma_start3A_404 = arith.constant 0 : i32
      %dma_start3A_405 = tpu.memref_slice %arg10[%dma_start3A_404] : memref<10240xf32, #tpu.memory_space<vmem_shared>> -> memref<10240xf32, #tpu.memory_space<vmem_shared>>
      tpu.enqueue_indirect_dma source(%dma_start3A_405 : memref<10240xf32, #tpu.memory_space<vmem_shared>>) target(%dma_start3A_400 : memref<128xf32, #tpu.memory_space<vmem>>) offsets(%dma_start3A_403 : memref<128xi32, #tpu.memory_space<vmem>>) semaphore(%arg11 : memref<!tpu.dma_semaphore, #tpu.memory_space<semaphore_mem>>)
    }
    %scan3A_41 = arith.constant 2 : i32
    %dma_wait3A_42 = arith.constant 0 : i32
    %dma_wait3A_43 = arith.constant 0 : i32
    %dma_wait3A_44 = tpu.memref_slice %arg3[%dma_wait3A_42, %dma_wait3A_43] : memref<1280x128xf32, #tpu.memory_space<hbm>> -> memref<40x128xf32, #tpu.memory_space<hbm>>
    %dma_wait3A_45 = arith.constant 0 : i32
    %dma_wait3A_46 = arith.constant 0 : i32
    %dma_wait3A_47 = tpu.memref_slice %arg3[%dma_wait3A_45, %dma_wait3A_46] : memref<1280x128xf32, #tpu.memory_space<hbm>> -> memref<40x128xf32, #tpu.memory_space<hbm>>
    tpu.wait_dma2 semaphore(%arg11 : memref<!tpu.dma_semaphore, #tpu.memory_space<semaphore_mem>>) src(%dma_wait3A_47 : memref<40x128xf32, #tpu.memory_space<hbm>>) dst(%arg8 : memref<40x128xf32, #tpu.memory_space<vmem>>)
    %scan3A_48 = arith.constant 0 : i32
    %scan3A_49 = arith.constant 40 : i32
    %scan3A_50 = arith.addi %scan3A_48, %scan3A_49 : i32
    %scan3A_51 = arith.constant 1 : i32
    scf.for %scan3A_65 = %scan3A_48 to %scan3A_50 step %scan3A_51  : i32 {
      %add3A_66 = arith.addi %mul3A_36, %scan3A_65 : i32
      %get3A = arith.index_cast %add3A_66 : i32 to index
      %get3A_67 = arith.constant 0 : index
      %get3A_68 = tpu.vector_load %arg6[%get3A, %get3A_67] {strides = array<i32>} : memref<80x128xf32, #tpu.memory_space<vmem>>, vector<16xf32>,
      %get3A_69 = arith.index_cast %scan3A_65 : i32 to index
      %get3A_70 = arith.constant 0 : index
      %get3A_71 = tpu.vector_load %arg8[%get3A_69, %get3A_70] {strides = array<i32>} : memref<40x128xf32, #tpu.memory_space<vmem>>, vector<16xf32>,
      %add3A_72 = arith.constant 1.000000e+00 : f32
      %add3A_73 = vector.broadcast %add3A_72 : f32 to vector<16xf32>
      %add3A_74 = arith.addf %get3A_71, %add3A_73 : vector<16xf32>
      %div3A = arith.divf %get3A_68, %add3A_74 : vector<16xf32>
      %mul3A_75 = arith.constant 128 : i32
      %mul3A_76 = arith.muli %scan3A_65, %mul3A_75 : i32
      %add3A_77 = arith.constant 0 : i32
      %add3A_78 = arith.addi %mul3A_76, %add3A_77 : i32
      %swap3A = arith.index_cast %add3A_78 : i32 to index
      %swap3A_79 = tpu.vector_load %arg9[%swap3A] {strides = array<i32>} : memref<5120xf32, #tpu.memory_space<vmem>>, vector<16xf32>,
      tpu.vector_store %arg9[%swap3A], %div3A {strides = array<i32>} : memref<5120xf32, #tpu.memory_space<vmem>>, vector<16xf32>,
      %add3A_80 = arith.addi %mul3A_36, %scan3A_65 : i32
      %get3A_81 = arith.index_cast %add3A_80 : i32 to index
      %get3A_82 = arith.constant 16 : index
      %get3A_83 = tpu.vector_load %arg6[%get3A_81, %get3A_82] {strides = array<i32>} : memref<80x128xf32, #tpu.memory_space<vmem>>, vector<16xf32>,
      %get3A_84 = arith.index_cast %scan3A_65 : i32 to index
      %get3A_85 = arith.constant 16 : index
      %get3A_86 = tpu.vector_load %arg8[%get3A_84, %get3A_85] {strides = array<i32>} : memref<40x128xf32, #tpu.memory_space<vmem>>, vector<16xf32>,
      %add3A_87 = arith.constant 1.000000e+00 : f32
      %add3A_88 = vector.broadcast %add3A_87 : f32 to vector<16xf32>
      %add3A_89 = arith.addf %get3A_86, %add3A_88 : vector<16xf32>
      %div3A_90 = arith.divf %get3A_83, %add3A_89 : vector<16xf32>
      %mul3A_91 = arith.constant 128 : i32
      %mul3A_92 = arith.muli %scan3A_65, %mul3A_91 : i32
      %add3A_93 = arith.constant 16 : i32
      %add3A_94 = arith.addi %mul3A_92, %add3A_93 : i32
      %swap3A_95 = arith.index_cast %add3A_94 : i32 to index
      %swap3A_96 = tpu.vector_load %arg9[%swap3A_95] {strides = array<i32>} : memref<5120xf32, #tpu.memory_space<vmem>>, vector<16xf32>,
      tpu.vector_store %arg9[%swap3A_95], %div3A_90 {strides = array<i32>} : memref<5120xf32, #tpu.memory_space<vmem>>, vector<16xf32>,
      %add3A_97 = arith.addi %mul3A_36, %scan3A_65 : i32
      %get3A_98 = arith.index_cast %add3A_97 : i32 to index
      %get3A_99 = arith.constant 32 : index
      %get3A_100 = tpu.vector_load %arg6[%get3A_98, %get3A_99] {strides = array<i32>} : memref<80x128xf32, #tpu.memory_space<vmem>>, vector<16xf32>,
      %get3A_101 = arith.index_cast %scan3A_65 : i32 to index
      %get3A_102 = arith.constant 32 : index
      %get3A_103 = tpu.vector_load %arg8[%get3A_101, %get3A_102] {strides = array<i32>} : memref<40x128xf32, #tpu.memory_space<vmem>>, vector<16xf32>,
      %add3A_104 = arith.constant 1.000000e+00 : f32
      %add3A_105 = vector.broadcast %add3A_104 : f32 to vector<16xf32>
      %add3A_106 = arith.addf %get3A_103, %add3A_105 : vector<16xf32>
      %div3A_107 = arith.divf %get3A_100, %add3A_106 : vector<16xf32>
      %mul3A_108 = arith.constant 128 : i32
      %mul3A_109 = arith.muli %scan3A_65, %mul3A_108 : i32
      %add3A_110 = arith.constant 32 : i32
      %add3A_111 = arith.addi %mul3A_109, %add3A_110 : i32
      %swap3A_112 = arith.index_cast %add3A_111 : i32 to index
      %swap3A_113 = tpu.vector_load %arg9[%swap3A_112] {strides = array<i32>} : memref<5120xf32, #tpu.memory_space<vmem>>, vector<16xf32>,
      tpu.vector_store %arg9[%swap3A_112], %div3A_107 {strides = array<i32>} : memref<5120xf32, #tpu.memory_space<vmem>>, vector<16xf32>,
      %add3A_114 = arith.addi %mul3A_36, %scan3A_65 : i32
      %get3A_115 = arith.index_cast %add3A_114 : i32 to index
      %get3A_116 = arith.constant 48 : index
      %get3A_117 = tpu.vector_load %arg6[%get3A_115, %get3A_116] {strides = array<i32>} : memref<80x128xf32, #tpu.memory_space<vmem>>, vector<16xf32>,
      %get3A_118 = arith.index_cast %scan3A_65 : i32 to index
      %get3A_119 = arith.constant 48 : index
      %get3A_120 = tpu.vector_load %arg8[%get3A_118, %get3A_119] {strides = array<i32>} : memref<40x128xf32, #tpu.memory_space<vmem>>, vector<16xf32>,
      %add3A_121 = arith.constant 1.000000e+00 : f32
      %add3A_122 = vector.broadcast %add3A_121 : f32 to vector<16xf32>
      %add3A_123 = arith.addf %get3A_120, %add3A_122 : vector<16xf32>
      %div3A_124 = arith.divf %get3A_117, %add3A_123 : vector<16xf32>
      %mul3A_125 = arith.constant 128 : i32
      %mul3A_126 = arith.muli %scan3A_65, %mul3A_125 : i32
      %add3A_127 = arith.constant 48 : i32
      %add3A_128 = arith.addi %mul3A_126, %add3A_127 : i32
      %swap3A_129 = arith.index_cast %add3A_128 : i32 to index
      %swap3A_130 = tpu.vector_load %arg9[%swap3A_129] {strides = array<i32>} : memref<5120xf32, #tpu.memory_space<vmem>>, vector<16xf32>,
      tpu.vector_store %arg9[%swap3A_129], %div3A_124 {strides = array<i32>} : memref<5120xf32, #tpu.memory_space<vmem>>, vector<16xf32>,
      %add3A_131 = arith.addi %mul3A_36, %scan3A_65 : i32
      %get3A_132 = arith.index_cast %add3A_131 : i32 to index
      %get3A_133 = arith.constant 64 : index
      %get3A_134 = tpu.vector_load %arg6[%get3A_132, %get3A_133] {strides = array<i32>} : memref<80x128xf32, #tpu.memory_space<vmem>>, vector<16xf32>,
      %get3A_135 = arith.index_cast %scan3A_65 : i32 to index
      %get3A_136 = arith.constant 64 : index
      %get3A_137 = tpu.vector_load %arg8[%get3A_135, %get3A_136] {strides = array<i32>} : memref<40x128xf32, #tpu.memory_space<vmem>>, vector<16xf32>,
      %add3A_138 = arith.constant 1.000000e+00 : f32
      %add3A_139 = vector.broadcast %add3A_138 : f32 to vector<16xf32>
      %add3A_140 = arith.addf %get3A_137, %add3A_139 : vector<16xf32>
      %div3A_141 = arith.divf %get3A_134, %add3A_140 : vector<16xf32>
      %mul3A_142 = arith.constant 128 : i32
      %mul3A_143 = arith.muli %scan3A_65, %mul3A_142 : i32
      %add3A_144 = arith.constant 64 : i32
      %add3A_145 = arith.addi %mul3A_143, %add3A_144 : i32
      %swap3A_146 = arith.index_cast %add3A_145 : i32 to index
      %swap3A_147 = tpu.vector_load %arg9[%swap3A_146] {strides = array<i32>} : memref<5120xf32, #tpu.memory_space<vmem>>, vector<16xf32>,
      tpu.vector_store %arg9[%swap3A_146], %div3A_141 {strides = array<i32>} : memref<5120xf32, #tpu.memory_space<vmem>>, vector<16xf32>,
      %add3A_148 = arith.addi %mul3A_36, %scan3A_65 : i32
      %get3A_149 = arith.index_cast %add3A_148 : i32 to index
      %get3A_150 = arith.constant 80 : index
      %get3A_151 = tpu.vector_load %arg6[%get3A_149, %get3A_150] {strides = array<i32>} : memref<80x128xf32, #tpu.memory_space<vmem>>, vector<16xf32>,
      %get3A_152 = arith.index_cast %scan3A_65 : i32 to index
      %get3A_153 = arith.constant 80 : index
      %get3A_154 = tpu.vector_load %arg8[%get3A_152, %get3A_153] {strides = array<i32>} : memref<40x128xf32, #tpu.memory_space<vmem>>, vector<16xf32>,
      %add3A_155 = arith.constant 1.000000e+00 : f32
      %add3A_156 = vector.broadcast %add3A_155 : f32 to vector<16xf32>
      %add3A_157 = arith.addf %get3A_154, %add3A_156 : vector<16xf32>
      %div3A_158 = arith.divf %get3A_151, %add3A_157 : vector<16xf32>
      %mul3A_159 = arith.constant 128 : i32
      %mul3A_160 = arith.muli %scan3A_65, %mul3A_159 : i32
      %add3A_161 = arith.constant 80 : i32
      %add3A_162 = arith.addi %mul3A_160, %add3A_161 : i32
      %swap3A_163 = arith.index_cast %add3A_162 : i32 to index
      %swap3A_164 = tpu.vector_load %arg9[%swap3A_163] {strides = array<i32>} : memref<5120xf32, #tpu.memory_space<vmem>>, vector<16xf32>,
      tpu.vector_store %arg9[%swap3A_163], %div3A_158 {strides = array<i32>} : memref<5120xf32, #tpu.memory_space<vmem>>, vector<16xf32>,
      %add3A_165 = arith.addi %mul3A_36, %scan3A_65 : i32
      %get3A_166 = arith.index_cast %add3A_165 : i32 to index
      %get3A_167 = arith.constant 96 : index
      %get3A_168 = tpu.vector_load %arg6[%get3A_166, %get3A_167] {strides = array<i32>} : memref<80x128xf32, #tpu.memory_space<vmem>>, vector<16xf32>,
      %get3A_169 = arith.index_cast %scan3A_65 : i32 to index
      %get3A_170 = arith.constant 96 : index
      %get3A_171 = tpu.vector_load %arg8[%get3A_169, %get3A_170] {strides = array<i32>} : memref<40x128xf32, #tpu.memory_space<vmem>>, vector<16xf32>,
      %add3A_172 = arith.constant 1.000000e+00 : f32
      %add3A_173 = vector.broadcast %add3A_172 : f32 to vector<16xf32>
      %add3A_174 = arith.addf %get3A_171, %add3A_173 : vector<16xf32>
      %div3A_175 = arith.divf %get3A_168, %add3A_174 : vector<16xf32>
      %mul3A_176 = arith.constant 128 : i32
      %mul3A_177 = arith.muli %scan3A_65, %mul3A_176 : i32
      %add3A_178 = arith.constant 96 : i32
      %add3A_179 = arith.addi %mul3A_177, %add3A_178 : i32
      %swap3A_180 = arith.index_cast %add3A_179 : i32 to index
      %swap3A_181 = tpu.vector_load %arg9[%swap3A_180] {strides = array<i32>} : memref<5120xf32, #tpu.memory_space<vmem>>, vector<16xf32>,
      tpu.vector_store %arg9[%swap3A_180], %div3A_175 {strides = array<i32>} : memref<5120xf32, #tpu.memory_space<vmem>>, vector<16xf32>,
      %add3A_182 = arith.addi %mul3A_36, %scan3A_65 : i32
      %get3A_183 = arith.index_cast %add3A_182 : i32 to index
      %get3A_184 = arith.constant 112 : index
      %get3A_185 = tpu.vector_load %arg6[%get3A_183, %get3A_184] {strides = array<i32>} : memref<80x128xf32, #tpu.memory_space<vmem>>, vector<16xf32>,
      %get3A_186 = arith.index_cast %scan3A_65 : i32 to index
      %get3A_187 = arith.constant 112 : index
      %get3A_188 = tpu.vector_load %arg8[%get3A_186, %get3A_187] {strides = array<i32>} : memref<40x128xf32, #tpu.memory_space<vmem>>, vector<16xf32>,
      %add3A_189 = arith.constant 1.000000e+00 : f32
      %add3A_190 = vector.broadcast %add3A_189 : f32 to vector<16xf32>
      %add3A_191 = arith.addf %get3A_188, %add3A_190 : vector<16xf32>
      %div3A_192 = arith.divf %get3A_185, %add3A_191 : vector<16xf32>
      %mul3A_193 = arith.constant 128 : i32
      %mul3A_194 = arith.muli %scan3A_65, %mul3A_193 : i32
      %add3A_195 = arith.constant 112 : i32
      %add3A_196 = arith.addi %mul3A_194, %add3A_195 : i32
      %swap3A_197 = arith.index_cast %add3A_196 : i32 to index
      %swap3A_198 = tpu.vector_load %arg9[%swap3A_197] {strides = array<i32>} : memref<5120xf32, #tpu.memory_space<vmem>>, vector<16xf32>,
      tpu.vector_store %arg9[%swap3A_197], %div3A_192 {strides = array<i32>} : memref<5120xf32, #tpu.memory_space<vmem>>, vector<16xf32>,
    }
    %scan3A_52 = arith.constant 40 : i32
    %mul3A_53 = arith.constant 10240 : i32
    %mul3A_54 = arith.muli %arg1, %mul3A_53 : i32
    %mul3A_55 = arith.constant 5120 : i32
    %mul3A_56 = arith.muli %arg0, %mul3A_55 : i32
    %add3A = arith.addi %mul3A_54, %mul3A_56 : i32
    %add3A_57 = arith.constant 5120 : i32
    %add3A_58 = arith.addi %add3A, %add3A_57 : i32
    %gt3A = arith.constant 160000 : i32
    %gt3A_59 = arith.cmpi sgt, %add3A_58, %gt3A : i32
    %not3A = arith.constant true
    %not3A_60 = arith.xori %gt3A_59, %not3A : i1
    %convert_element_type3A = arith.extui %not3A_60 : i1 to i32
    %cond3A = arith.constant 0 : i32
    %cond3A_61 = arith.cmpi ne, %convert_element_type3A, %cond3A : i32
    scf.if %cond3A_61 {
      "tpu.region"() ({
        %run_scoped3A = tpu.sem_alloc : memref<!tpu.dma_semaphore, #tpu.memory_space<semaphore_mem>>
        %dma_start3A_65 = tpu.memref_slice %arg4[%add3A] : memref<160000xf32, #tpu.memory_space<hbm>> -> memref<5120xf32, #tpu.memory_space<hbm>>
        %dma_start3A_66 = tpu.memref_slice %arg4[%add3A] : memref<160000xf32, #tpu.memory_space<hbm>> -> memref<5120xf32, #tpu.memory_space<hbm>>
        tpu.enqueue_dma source(%arg9 : memref<5120xf32, #tpu.memory_space<vmem>>) target(%dma_start3A_66 : memref<5120xf32, #tpu.memory_space<hbm>>) target_semaphore(%run_scoped3A : memref<!tpu.dma_semaphore, #tpu.memory_space<semaphore_mem>>)
        %dma_wait3A_67 = tpu.memref_slice %arg4[%add3A] : memref<160000xf32, #tpu.memory_space<hbm>> -> memref<5120xf32, #tpu.memory_space<hbm>>
        %dma_wait3A_68 = tpu.memref_slice %arg4[%add3A] : memref<160000xf32, #tpu.memory_space<hbm>> -> memref<5120xf32, #tpu.memory_space<hbm>>
        tpu.wait_dma2 semaphore(%run_scoped3A : memref<!tpu.dma_semaphore, #tpu.memory_space<semaphore_mem>>) src(%arg9 : memref<5120xf32, #tpu.memory_space<vmem>>) dst(%dma_wait3A_68 : memref<5120xf32, #tpu.memory_space<hbm>>)
        tpu.yield
      }) : () -> ()
    } else {
    }
    %convert_element_type3A_62 = arith.extui %gt3A_59 : i1 to i32
    %cond3A_63 = arith.constant 0 : i32
    %cond3A_64 = arith.cmpi ne, %convert_element_type3A_62, %cond3A_63 : i32
    scf.if %cond3A_64 {
      "tpu.region"() ({
        %run_scoped3A = tpu.sem_alloc : memref<!tpu.dma_semaphore, #tpu.memory_space<semaphore_mem>>
        %dma_start3A_65 = arith.constant 0 : i32
        %dma_start3A_66 = tpu.memref_slice %arg9[%dma_start3A_65] : memref<5120xf32, #tpu.memory_space<vmem>> -> memref<1280xf32, #tpu.memory_space<vmem>>
        %dma_start3A_67 = tpu.memref_slice %arg4[%add3A] : memref<160000xf32, #tpu.memory_space<hbm>> -> memref<1280xf32, #tpu.memory_space<hbm>>
        %dma_start3A_68 = tpu.memref_slice %arg4[%add3A] : memref<160000xf32, #tpu.memory_space<hbm>> -> memref<1280xf32, #tpu.memory_space<hbm>>
        %dma_start3A_69 = arith.constant 0 : i32
        %dma_start3A_70 = tpu.memref_slice %arg9[%dma_start3A_69] : memref<5120xf32, #tpu.memory_space<vmem>> -> memref<1280xf32, #tpu.memory_space<vmem>>
        tpu.enqueue_dma source(%dma_start3A_70 : memref<1280xf32, #tpu.memory_space<vmem>>) target(%dma_start3A_68 : memref<1280xf32, #tpu.memory_space<hbm>>) target_semaphore(%run_scoped3A : memref<!tpu.dma_semaphore, #tpu.memory_space<semaphore_mem>>)
        %dma_wait3A_71 = arith.constant 0 : i32
        %dma_wait3A_72 = tpu.memref_slice %arg9[%dma_wait3A_71] : memref<5120xf32, #tpu.memory_space<vmem>> -> memref<1280xf32, #tpu.memory_space<vmem>>
        %dma_wait3A_73 = tpu.memref_slice %arg4[%add3A] : memref<160000xf32, #tpu.memory_space<hbm>> -> memref<1280xf32, #tpu.memory_space<hbm>>
        %dma_wait3A_74 = tpu.memref_slice %arg4[%add3A] : memref<160000xf32, #tpu.memory_space<hbm>> -> memref<1280xf32, #tpu.memory_space<hbm>>
        %dma_wait3A_75 = arith.constant 0 : i32
        %dma_wait3A_76 = tpu.memref_slice %arg9[%dma_wait3A_75] : memref<5120xf32, #tpu.memory_space<vmem>> -> memref<1280xf32, #tpu.memory_space<vmem>>
        tpu.wait_dma2 semaphore(%run_scoped3A : memref<!tpu.dma_semaphore, #tpu.memory_space<semaphore_mem>>) src(%dma_wait3A_76 : memref<1280xf32, #tpu.memory_space<vmem>>) dst(%dma_wait3A_74 : memref<1280xf32, #tpu.memory_space<hbm>>)
        tpu.yield
      }) : () -> ()
    } else {
    }
    return
  }
}

module attributes {stable_mosaic.version = 14 : i64} {
  func.func @_scale_body(%arg0: i32, %arg1: memref<160000xf32, #tpu.memory_space<vmem>>, %arg2: memref<6400x256xf32, #tpu.memory_space<vmem>>, %arg3: memref<6400x256xf32, #tpu.memory_space<vmem>>) attributes {dimension_semantics = [#tpu.dimension_semantics<arbitrary>], iteration_bounds = array<i64: 25>, scalar_prefetch = 0 : i64, scratch_operands = 0 : i64, tpu.core_type = #tpu.core_type<tc>, window_params = [{pipeline_mode = #tpu.pipeline_mode<synchronous>, transform_indices = @transform_0, window_bounds = array<i64: 160000>}, {transform_indices = @transform_1, window_bounds = array<i64: 6400, 256>}, {transform_indices = @transform_2, window_bounds = array<i64: 6400, 256>}]} {
    %mul3A = arith.constant 6400 : i32
    %mul3A_0 = arith.muli %arg0, %mul3A : i32
    %get3A = arith.index_cast %mul3A_0 : i32 to index
    %get3A_1 = vector.load %arg1[%get3A] : memref<160000xf32, #tpu.memory_space<vmem>>, vector<6400xf32>
    %reshape3A = vector.shape_cast %get3A_1 : vector<6400xf32> to vector<6400x1xf32>
    %get3A_2 = arith.constant 0 : index
    %get3A_3 = arith.constant 0 : index
    %get3A_4 = vector.load %arg2[%get3A_2, %get3A_3] : memref<6400x256xf32, #tpu.memory_space<vmem>>, vector<6400x256xf32>
    %mul3A_5 = vector.broadcast %reshape3A : vector<6400x1xf32> to vector<6400x256xf32>
    %mul3A_6 = arith.mulf %mul3A_5, %get3A_4 : vector<6400x256xf32>
    %swap3A = arith.constant 0 : index
    %swap3A_7 = arith.constant 0 : index
    %swap3A_8 = vector.load %arg3[%swap3A, %swap3A_7] : memref<6400x256xf32, #tpu.memory_space<vmem>>, vector<6400x256xf32>
    tpu.vector_store %arg3[%swap3A, %swap3A_7], %mul3A_6 {strides = array<i32>} : memref<6400x256xf32, #tpu.memory_space<vmem>>, vector<6400x256xf32>,
    return
  }
  func.func @transform_0(%arg0: i32) -> i32 {
    %c0_i32 = arith.constant 0 : i32
    %c0_i32_0 = arith.constant 0 : i32
    return %c0_i32 : i32
  }
  func.func @transform_1(%arg0: i32) -> (i32, i32) {
    %c0_i32 = arith.constant 0 : i32
    %c0_i32_0 = arith.constant 0 : i32
    return %arg0, %c0_i32 : i32, i32
  }
  func.func @transform_2(%arg0: i32) -> (i32, i32) {
    %c0_i32 = arith.constant 0 : i32
    %c0_i32_0 = arith.constant 0 : i32
    return %arg0, %c0_i32 : i32, i32
  }
}

module attributes {stable_mosaic.version = 14 : i64} {
  func.func @_score_body(%arg0: i32, %arg1: memref<6400x256xf32, #tpu.memory_space<vmem>>, %arg2: memref<6400x256xf32, #tpu.memory_space<vmem>>, %arg3: memref<160000xi32, #tpu.memory_space<vmem>>, %arg4: memref<163840xf32, #tpu.memory_space<vmem>>, %arg5: memref<163840xi32, #tpu.memory_space<vmem>>) attributes {dimension_semantics = [#tpu.dimension_semantics<arbitrary>], iteration_bounds = array<i64: 25>, scalar_prefetch = 0 : i64, scratch_operands = 0 : i64, tpu.core_type = #tpu.core_type<tc>, window_params = [{transform_indices = @transform_0, window_bounds = array<i64: 6400, 256>}, {transform_indices = @transform_1, window_bounds = array<i64: 6400, 256>}, {pipeline_mode = #tpu.pipeline_mode<synchronous>, transform_indices = @transform_2, window_bounds = array<i64: 160000>}, {pipeline_mode = #tpu.pipeline_mode<synchronous>, transform_indices = @transform_3, window_bounds = array<i64: 163840>}, {pipeline_mode = #tpu.pipeline_mode<synchronous>, transform_indices = @transform_4, window_bounds = array<i64: 163840>}]} {
    %get3A = arith.constant 0 : index
    %get3A_0 = arith.constant 0 : index
    %get3A_1 = vector.load %arg1[%get3A, %get3A_0] : memref<6400x256xf32, #tpu.memory_space<vmem>>, vector<6400x256xf32>
    %get3A_2 = arith.constant 0 : index
    %get3A_3 = arith.constant 0 : index
    %get3A_4 = vector.load %arg2[%get3A_2, %get3A_3] : memref<6400x256xf32, #tpu.memory_space<vmem>>, vector<6400x256xf32>
    %mul3A = arith.mulf %get3A_1, %get3A_4 : vector<6400x256xf32>
    %reduce_sum3A = arith.constant dense<0.000000e+00> : vector<6400xf32>
    %reduce_sum3A_5 = vector.multi_reduction <add>, %mul3A, %reduce_sum3A [1] : vector<6400x256xf32> to vector<6400xf32>
    %mul3A_6 = arith.constant 6.250000e-02 : f32
    %mul3A_7 = vector.broadcast %mul3A_6 : f32 to vector<6400xf32>
    %mul3A_8 = arith.mulf %reduce_sum3A_5, %mul3A_7 : vector<6400xf32>
    %exp3A = math.exp %mul3A_8 : vector<6400xf32>
    %mul3A_9 = arith.constant 6400 : i32
    %mul3A_10 = arith.muli %arg0, %mul3A_9 : i32
    %swap3A = arith.index_cast %mul3A_10 : i32 to index
    %swap3A_11 = vector.load %arg4[%swap3A] : memref<163840xf32, #tpu.memory_space<vmem>>, vector<6400xf32>
    tpu.vector_store %arg4[%swap3A], %exp3A {strides = array<i32>} : memref<163840xf32, #tpu.memory_space<vmem>>, vector<6400xf32>,
    %mul3A_12 = arith.constant 6400 : i32
    %mul3A_13 = arith.muli %arg0, %mul3A_12 : i32
    %get3A_14 = arith.index_cast %mul3A_13 : i32 to index
    %get3A_15 = vector.load %arg3[%get3A_14] : memref<160000xi32, #tpu.memory_space<vmem>>, vector<6400xi32>
    %mul3A_16 = arith.constant 6400 : i32
    %mul3A_17 = arith.muli %arg0, %mul3A_16 : i32
    %swap3A_18 = arith.index_cast %mul3A_17 : i32 to index
    %swap3A_19 = vector.load %arg5[%swap3A_18] : memref<163840xi32, #tpu.memory_space<vmem>>, vector<6400xi32>
    tpu.vector_store %arg5[%swap3A_18], %get3A_15 {strides = array<i32>} : memref<163840xi32, #tpu.memory_space<vmem>>, vector<6400xi32>,
    %eq3A = arith.constant 0 : i32
    %eq3A_20 = arith.cmpi eq, %arg0, %eq3A : i32
    %convert_element_type3A = arith.extui %eq3A_20 : i1 to i32
    %cond3A = arith.constant 0 : i32
    %cond3A_21 = arith.cmpi ne, %convert_element_type3A, %cond3A : i32
    scf.if %cond3A_21 {
      %broadcast_in_dim3A = arith.constant 0.000000e+00 : f32
      %broadcast_in_dim3A_22 = vector.broadcast %broadcast_in_dim3A : f32 to vector<3840xf32>
      %swap3A_23 = arith.constant 160000 : index
      %swap3A_24 = vector.load %arg4[%swap3A_23] : memref<163840xf32, #tpu.memory_space<vmem>>, vector<3840xf32>
      tpu.vector_store %arg4[%swap3A_23], %broadcast_in_dim3A_22 {strides = array<i32>} : memref<163840xf32, #tpu.memory_space<vmem>>, vector<3840xf32>,
      %broadcast_in_dim3A_25 = arith.constant 0 : i32
      %broadcast_in_dim3A_26 = vector.broadcast %broadcast_in_dim3A_25 : i32 to vector<3840xi32>
      %swap3A_27 = arith.constant 160000 : index
      %swap3A_28 = vector.load %arg5[%swap3A_27] : memref<163840xi32, #tpu.memory_space<vmem>>, vector<3840xi32>
      tpu.vector_store %arg5[%swap3A_27], %broadcast_in_dim3A_26 {strides = array<i32>} : memref<163840xi32, #tpu.memory_space<vmem>>, vector<3840xi32>,
    } else {
    }
    return
  }
  func.func @transform_0(%arg0: i32) -> (i32, i32) {
    %c0_i32 = arith.constant 0 : i32
    %c0_i32_0 = arith.constant 0 : i32
    return %arg0, %c0_i32 : i32, i32
  }
  func.func @transform_1(%arg0: i32) -> (i32, i32) {
    %c0_i32 = arith.constant 0 : i32
    %c0_i32_0 = arith.constant 0 : i32
    return %arg0, %c0_i32 : i32, i32
  }
  func.func @transform_2(%arg0: i32) -> i32 {
    %c0_i32 = arith.constant 0 : i32
    %c0_i32_0 = arith.constant 0 : i32
    return %c0_i32 : i32
  }
  func.func @transform_3(%arg0: i32) -> i32 {
    %c0_i32 = arith.constant 0 : i32
    %c0_i32_0 = arith.constant 0 : i32
    return %c0_i32 : i32
  }
  func.func @transform_4(%arg0: i32) -> i32 {
    %c0_i32 = arith.constant 0 : i32
    %c0_i32_0 = arith.constant 0 : i32
    return %c0_i32 : i32
  }
}

</mosaic_0001>

<sc_bundles>
// kernel: kernel.5.cloned.1.call-start
scs
__scs_entry_jumppad:
0x0: {  	(pc) =	sbr.rel $0x88, $3  }
0x1: {  	(tag) =	ssettag $0x0;
	lr =	simm.s32 $0x1  }
0x2: {  	[smem:$0x3F9D] =	sst lr;
	_ =	strace $0xD0000000  }
0x3: {  	_ = 	snop  }
0x4: {  	_ = 	snop  }
0x5: {  	_ = 	snop  }
0x6: {  	_ = 	snop  }
0x7: {  	_ = 	snop  }
__scs_overlays_trampoline_lowered:
0x8: {  	[smem:$0x3FAC] =	sst s0  }
0x9: {  	[smem:$0x3FAD] =	sst s1  }
0xa: {  	[smem:$0x3FAE] =	sst s2  }
0xb: {  	[smem:$0x3FAF] =	sst s3  }
0xc: {  	[smem:$0x3FB0] =	sst s4  }
0xd: {  	[smem:$0x3FB1] =	sst s5  }
0xe: {  	[smem:$0x3FB2] =	sst s6  }
0xf: {  	[smem:$0x3FB3] =	sst s7  }
0x10: {  	[smem:$0x3FB4] =	sst s8  }
0x11: {  	[smem:$0x3FB5] =	sst s9;
	s0 =	simm.s32 @!p0 $0x0  }
0x12: {  	s1 =	sld [smem:$0x3F9B];
	s0 =	simm.s32 @p0 $0x1  }
0x13: {  	[smem:$0x3FB6] =	sst s0;
	s0 =	simm.s32 @!p1 $0x0  }
0x14: {  	s2 =	sld [smem:$0x3F9A];
	s0 =	simm.s32 @p1 $0x1  }
0x15: {  	[smem:$0x3FB7] =	sst s0;
	s0 =	simm.s32 @!p2 $0x0  }
0x16: {  	s3 =	sld [smem:$0x3FDB];
	s0 =	simm.s32 @p2 $0x1  }
0x17: {  	s4 =	simm.s32 $0x1BF5;
	[smem:$0x3FB9] =	sst s0  }
0x18: {  	s0 =	sld [smem:$0x3F9C];
	_ =	swait.ge [sflag:s4], $0x0  }
0x19: {  	s7 =	sld [smem:$0x3F9D]  }
0x1a: {  	s8 =	sadd.s32 $0xFFFFE003, lr  }
0x1b: {  	s9 =	sadd.s32 $0xFFFFFEF7, lr;
	s5 =	simm.s32 $0xFFFFFFFF;
	p2 =	slt.u32 s8, $0xFFFFF086  }
0x1c: {  	p1 =	slt.u32 s9, $0xF7A;
	s5 =	simm.s32 @!p2 $0x0  }
0x1d: {  	s5 =	simm.s32 @p1 $0x1;
	p0 =	seq.s32 s7, s2  }
0x1e: {  	s7 =	smul.u32 @!p0 $0xF7A, s2;
	p2 =	seq.s32 @!p0 s5, $0x0  }
0x1f: {  	s9 =	smul.u32 $0xF7A, s1;
	s8 =	simm.s32 @!p0 $0x1BF5;
	p2 =	por !p2, p0  }
0x20: {  	[sflag:s8] =	ssyncset.s32 @!p0 $0xFFFFF086;
	s6 =	sadd.s32 @!p0 s3, s7;
	s7 =	simm.s32 @!p0 $0x108  }
0x21: {  	s3 =	sadd.s32 s3, s9;
	s6 =	sadd.s32 @!p0 $0x88, s6;
	s7 =	simm.s32 @p2 $0x1082  }
0x22: {  	[simem:s7], [sflag:s8] =	dma.local @!p0 [hbm:s6], $0xF7A  }
0x23: {  	s9 =	sor.u32 $0xD0000000, s2;
	s6 =	simm.s32 $0x108;
	_ =	swait.ge @!p0 [sflag:s8], $0x0  }
0x24: {  	s3 =	sadd.s32 $0x88, s3;
	s6 =	simm.s32 @!p1 $0x1082;
	[sflag:s4] =	ssyncset.s32 $0xFFFFF086  }
0x25: {  	[simem:s6], [sflag:s4] =	dma.local [hbm:s3], $0xF7A  }
0x26: {  	[smem:$0x3F9D] =	sst s1;
	(tag) =	ssettag s2;
	_ =	strace s9  }
0x27: {  	s1 =	sld [smem:$0x3FAD]  }
0x28: {  	s2 =	sld [smem:$0x3FAE]  }
0x29: {  	s4 =	sld [smem:$0x3FB0]  }
0x2a: {  	p0 =	seq.s32 s5, $0x0;
	s5 =	sld [smem:$0x3FB1]  }
0x2b: {  	s6 =	sld [smem:$0x3FB2]  }
0x2c: {  	s7 =	sld [smem:$0x3FB3]  }
0x2d: {  	s3 =	simm.s32 $0x108;
	s8 =	sld [smem:$0x3FB4]  }
0x2e: {  	s3 =	simm.s32 @!p0 $0x1082;
	s9 =	sld [smem:$0x3FB5]  }
0x2f: {  	lr =	sadd.s32 s0, s3;
	s0 =	sld [smem:$0x3FAC]  }
0x30: {  	s3 =	sld [smem:$0x3FAF]  }
0x31: {  	[smem:$0x3FB8] =	sst s10  }
0x32: {  	s10 =	sld [smem:$0x3FB6];
	_ =	sdelay $0x3  }
0x33: {  	p0 =	seq.s32 s10, $0x1;
	s10 =	sld [smem:$0x3FB8];
	_ =	sdelay $0x3  }
0x34: {  	[smem:$0x3FB8] =	sst s10  }
0x35: {  	s10 =	sld [smem:$0x3FB7];
	_ =	sdelay $0x3  }
0x36: {  	p1 =	seq.s32 s10, $0x1;
	s10 =	sld [smem:$0x3FB8];
	_ =	sdelay $0x3  }
0x37: {  	[smem:$0x3FB8] =	sst s10  }
0x38: {  	s10 =	sld [smem:$0x3FB9]  }
0x39: {  	_ = 	snop;
	(pc) =	sbr.ind lr, $3  }
0x3a: {  	_ = 	snop  }
0x3b: {  	_ = 	snop  }
0x3c: {  	p2 =	seq.s32 s10, $0x1;
	s10 =	sld [smem:$0x3FB8]  }
0x3d: {  	_ =	shalt  }
0x3e: {  	_ =	shalt  }
0x3f: {  	_ =	shalt  }
0x40: {  	_ =	shalt  }
0x41: {  	_ =	shalt  }
0x42: {  	_ =	shalt  }
0x43: {  	_ =	shalt  }
0x44: {  	_ =	shalt  }
0x45: {  	_ =	shalt  }
0x46: {  	_ =	shalt  }
0x47: {  	_ =	shalt  }
0x48: {  	_ =	shalt  }
0x49: {  	_ =	shalt  }
0x4a: {  	_ =	shalt  }
0x4b: {  	_ =	shalt  }
0x4c: {  	_ =	shalt  }
0x4d: {  	_ =	shalt  }
0x4e: {  	_ =	shalt  }
0x4f: {  	_ =	shalt  }
0x50: {  	_ =	shalt  }
0x51: {  	_ =	shalt  }
0x52: {  	_ =	shalt  }
0x53: {  	_ =	shalt  }
0x54: {  	_ =	shalt  }
0x55: {  	_ =	shalt  }
0x56: {  	_ =	shalt  }
0x57: {  	_ =	shalt  }
0x58: {  	_ =	shalt  }
0x59: {  	_ =	shalt  }
0x5a: {  	_ =	shalt  }
0x5b: {  	_ =	shalt  }
0x5c: {  	_ =	shalt  }
0x5d: {  	_ =	shalt  }
0x5e: {  	_ =	shalt  }
0x5f: {  	_ =	shalt  }
0x60: {  	_ =	shalt  }
0x61: {  	_ =	shalt  }
0x62: {  	_ =	shalt  }
0x63: {  	_ =	shalt  }
0x64: {  	_ =	shalt  }
0x65: {  	_ =	shalt  }
0x66: {  	_ =	shalt  }
0x67: {  	_ =	shalt  }
0x68: {  	_ =	shalt  }
0x69: {  	_ =	shalt  }
0x6a: {  	_ =	shalt  }
0x6b: {  	_ =	shalt  }
0x6c: {  	_ =	shalt  }
0x6d: {  	_ =	shalt  }
0x6e: {  	_ =	shalt  }
0x6f: {  	_ =	shalt  }
0x70: {  	_ =	shalt  }
0x71: {  	_ =	shalt  }
0x72: {  	_ =	shalt  }
0x73: {  	_ =	shalt  }
0x74: {  	_ =	shalt  }
0x75: {  	_ =	shalt  }
0x76: {  	_ =	shalt  }
0x77: {  	_ =	shalt  }
0x78: {  	_ =	shalt  }
0x79: {  	_ =	shalt  }
0x7a: {  	_ =	shalt  }
0x7b: {  	_ =	shalt  }
0x7c: {  	_ =	shalt  }
0x7d: {  	_ =	shalt  }
0x7e: {  	_ =	shalt  }
0x7f: {  	_ =	shalt  }
0x80: {  	_ =	shalt  }
0x81: {  	_ =	shalt  }
0x82: {  	_ =	shalt  }
0x83: {  	_ =	shalt  }
0x84: {  	_ =	shalt  }
0x85: {  	_ =	shalt  }
0x86: {  	_ =	shalt  }
0x87: {  	_ =	shalt  }
.Lfunc_end0:
.L_simem_size_0:
called_computation_lowered:
.L_overlay_start_0:
0x88: {  	s2 =	sld [smem:$0x3FD9]  }
0x89: {  	s3 =	sld [smem:$0x3FFE];
	_ =	sdelay $0x1  }
0x8a: {  	s1 =	srdreg.scid  }
0x8b: {  	s0 =	sand.u32 $0x1, s1  }
0x8c: {  	s17 =	sshll.u32 s0, $0xA;
	s2 =	sadd.s32 s3, s2  }
0x8d: {  	s2 =	sadd.s32 s2, s17  }
0x8e: {  	[smem:$0x3FC4] =	sst s2  }
0x8f: {  	_ = 	snop  }
0x90: {  	s2 =	sld [smem:$0x3FD0];
	(tm) =	ssettm $0x1  }
0x91: {  	s18 =	sld [smem:$0x3FFB];
	_ =	sdelay $0x3  }
0x92: {  	_ =	strace s18  }
0x93: {  	s3 =	sld [smem:$0x3FFC];
	_ =	sdelay $0x3  }
0x94: {  	_ =	strace s3  }
0x95: {  	s3 =	sld [smem:$0x3FFD];
	_ =	sdelay $0x3  }
0x96: {  	_ =	strace s3  }
0x97: {  	_ =	strace $0x8FFFFFFF  }
0x98: {  	s19 =	sld [smem:$0x3FDB];
	_ =	sdelay $0x1  }
0x99: {  	s4 =	simm.s32 $_scs_section_size  }
0x9a: {  	s5 =	simm.s32 $_size__tile_overlayer_lowered;
	s6 =	simm.s32 $_tile_overlayer_lowered  }
0x9b: {  	s22 =	simm.s32 $0x1BFF;
	s21 =	sshll.u32 s6, $0x1;
	s3 =	sadd.s32 s4, s19  }
0x9c: {  	s7 =	simm.s32 $0x0;
	s20 =	sshll.u32 s5, $0x1;
	s5 =	sadd.s32 s21, s3  }
0x9d: {  	[timem:s7], [sflag:s22] =	dma.local [hbm:s5], s20  }
0x9e: {  	_ =	swait.ge [sflag:s22], s20  }
0x9f: {  	s4 =	ssub.s32 $0x0, s20;
	[sflag:s22] =	ssyncset.done $0x0  }
0xa0: {  	[sflag:s22] =	ssyncadd.s32 s4;
	_ =	sdelay $0x1  }
0xa1: {  	s23 =	simm.s32 $0x1B8B  }
0xa2: {  	_ =	swait.ge [sflag:s23], $0x1  }
0xa3: {  	[sflag:s23] =	ssyncset.done $0x0  }
0xa4: {  	s25 =	simm.s32 $0x1B8E;
	s24 =	sld [smem:$0x3FFE];
	[sflag:s23] =	ssyncadd.s32 $0xFFFFFFFF  }
0xa5: {  	s26 =	simm.s32 $execute0_lowered;
	[smem:$0x3FD2] =	sst s25  }
0xa6: {  	s5 =	sshll.u32 s26, $0x1;
	_ =	strace $0x80000046;
	[dreg:$0x1] =	wrdreg $0xFFFFFFFF  }
0xa7: {  	s28 =	simm.s32 $_size_execute0_lowered;
	s3 =	sadd.s32 s3, s5;
	[dreg:$0x0] =	wrdreg $0x0  }
0xa8: {  	s5 =	sshll.u32 s28, $0x1;
	[dreg:$0x2] =	wrdreg s3  }
0xa9: {  	[dreg:$0x3] =	wrdreg s5  }
0xaa: {  	[dreg:$0x4] =	wrdreg $0xC0  }
0xab: {  	_ =	task [dreg:s7], $0x5FFFF  }
0xac: {  	[dreg:$0x1] =	wrdreg $0xFFFFFFFF  }
0xad: {  	[dreg:$0x0] =	wrdreg $0x60  }
0xae: {  	[dreg:$0x2] =	wrdreg s2  }
0xaf: {  	[dreg:$0x3] =	wrdreg s24  }
0xb0: {  	[dreg:$0x4] =	wrdreg $0x7A800  }
0xb1: {  	[dreg:$0x5] =	wrdreg $0x9  }
0xb2: {  	_ =	task.clear_ibuf [dreg:s7], $0x6FFFF;
	_ =	strace $0x90000046  }
0xb3: {  	s29 =	simm.s32 $0x9;
	_ =	strace $0x80000048  }
0xb4: {  	_ =	swait.ge [sflag:s29], $0x1  }
0xb5: {  	[sflag:s29] =	ssyncadd.s32 $0xFFFFFFFF  }
0xb6: {  	_ =	strace $0x90000048  }
0xb7: {  	_ =	sfence  }
0xb8: {  	s30 =	sld [smem:$0x0];
	_ =	sdelay $0x2  }
0xb9: {  	s31 =	sshll.u32 s1, $0xD;
	s1 =	sshrl.u32 s1, $0x2  }
0xba: {  	s3 =	sand.u32 $0x4000, s31;
	s1 =	sadd.s32 s1, s30  }
0xbb: {  	s0 =	sor.u32 s3, s0;
	s1 =	sshll.u32 s1, $0x11  }
0xbc: {  	s0 =	sor.u32 s1, s0  }
0xbd: {  	s0 =	sadd.s32 $0x8F2B, s0  }
0xbe: {  	[sflag:s0] =	ssyncadd.remote.s32 $0x1  }
0xbf: {  	_ =	sfence.sel $0xFFFF  }
0xc0: {  	[dreg:$0x0] =	wrdreg $0xFFFFFFFF;
	(pc) =	sbr.abs _section_cstart, $3  }
0xc1: {  	[dreg:$0x1] =	wrdreg $0xFFFFFFFF  }
0xc2: {  	_ =	task.clear_ibuf [dreg:s7], $0x2FFFF;
	_ =	strace $0x9FFFFFFF  }
0xc3: {  	(tm) =	ssettm $0x7FFFFFFF  }
tec
execute0_lowered:
.L_overlay_start_1:
0x0: {  	(tag) =	ssettag $0x1  }
0x1: {  	s0 =	rddreg [dreg:$0x0]  }
0x2: {  	s1 =	rddreg [dreg:$0x1];
	s10 =	stileid.u32  }
0x3: {  	s3 =	srdreg.scid;
	s4 =	smul.u32 $0x500, s10  }
0x4: {  	s2 =	rddreg [dreg:$0x2];
	s6 =	smul.u32 $0x2800, s10  }
0x5: {  	s5 =	sand.u32 $0x1, s3;
	s3 =	simm.s32 $0x0;
	s10 =	smul.u32 $0xA00, s10  }
0x6: {  	s7 =	smul.u32 $0x1400, s5;
	[smem:$0x7FF] =	sst s3  }
0x7: {  	s9 =	ssub.s32 $0x2, s5;
	s5 =	smul.u32 $0x5000, s5;
	_ =	strace $0x80000047  }
0x8: {  	s8 =	sadd.s32 s4, s1;
	s30 =	sshrl.u32 s9, $0x1;
	s0 =	sadd.s32 s0, s4  }
0x9: {  	s6 =	sadd.s32 s7, s6;
	[dreg:$0x4] =	wrdreg s0;
	s8 =	sadd.s32 $0xE00, s8  }
0xa: {  	s9 =	ssub.s32 s9, s30;
	s7 =	sshrl.u32 s6, $0x3;
	[dreg:$0x5] =	wrdreg s8  }
0xb: {  	s9 =	smax.u32 s9, $0x1;
	s1 =	sadd.s32 s7, s1;
	s7 =	sshrl.u32 s10, $0x2  }
0xc: {  	[dreg:$0x7] =	wrdreg s9;
	s0 =	sadd.s32 s7, s2;
	s7 =	sshrl.u32 s5, $0x2  }
0xd: {  	[dreg:$0x6] =	wrdreg s0;
	s10 =	sor.u32 $0x80, s7  }
0xe: {  	s11 =	sor.u32 $0x100, s7;
	[dreg:$0x8] =	wrdreg s10  }
0xf: {  	s12 =	sor.u32 $0x180, s7;
	[dreg:$0x9] =	wrdreg s11  }
0x10: {  	s13 =	sor.u32 $0x200, s7;
	[dreg:$0xa] =	wrdreg s12  }
0x11: {  	s14 =	sor.u32 $0x280, s7;
	[dreg:$0xb] =	wrdreg s13  }
0x12: {  	s15 =	sor.u32 $0x300, s7;
	[dreg:$0xc] =	wrdreg s14  }
0x13: {  	s16 =	sor.u32 $0x380, s7;
	[dreg:$0xd] =	wrdreg s15  }
0x14: {  	s17 =	sadd.s32 $0x400, s7;
	[dreg:$0xe] =	wrdreg s16  }
0x15: {  	s18 =	sadd.s32 $0x480, s7;
	[dreg:$0xf] =	wrdreg s17  }
0x16: {  	s19 =	sadd.s32 $0x500, s7;
	[dreg:$0x10] =	wrdreg s18  }
0x17: {  	s20 =	sadd.s32 $0x580, s7;
	[dreg:$0x11] =	wrdreg s19  }
0x18: {  	s21 =	sadd.s32 $0x600, s7;
	[dreg:$0x12] =	wrdreg s20  }
0x19: {  	s22 =	sadd.s32 $0x680, s7;
	[dreg:$0x13] =	wrdreg s21  }
0x1a: {  	p0 =	sgt.u32 s6, $0x25D00;
	s23 =	sadd.s32 $0x700, s7;
	[dreg:$0x14] =	wrdreg s22  }
0x1b: {  	s8 =	sadd.s32 $0x5E00, s1;
	s24 =	sadd.s32 $0x780, s7;
	[dreg:$0x15] =	wrdreg s23  }
0x1c: {  	s25 =	sadd.s32 $0x800, s7;
	s26 =	sadd.s32 $0x880, s7;
	[dreg:$0x16] =	wrdreg s24  }
0x1d: {  	s28 =	sadd.s32 $0x900, s7;
	s29 =	sadd.s32 $0x980, s7;
	[dreg:$0x17] =	wrdreg s25  }
0x1e: {  	s30 =	sadd.s32 $0xA00, s7;
	s31 =	sadd.s32 $0xA80, s7;
	[dreg:$0x18] =	wrdreg s26  }
0x1f: {  	s1 =	sadd.s32 $0xB00, s7;
	s0 =	sadd.s32 $0xB80, s7;
	[dreg:$0x19] =	wrdreg s28  }
0x20: {  	s4 =	sadd.s32 $0xC00, s7;
	s5 =	sadd.s32 $0xC80, s7;
	[dreg:$0x1a] =	wrdreg s29  }
0x21: {  	s6 =	sadd.s32 $0xD00, s7;
	s9 =	sadd.s32 $0xD80, s7;
	[dreg:$0x1b] =	wrdreg s30  }
0x22: {  	s10 =	sadd.s32 $0xE00, s7;
	s11 =	sadd.s32 $0xE80, s7;
	s12 =	sadd.s32 $0xF00, s7  }
0x23: {  	s13 =	sadd.s32 $0xF80, s7;
	s14 =	sadd.s32 $0x1000, s7;
	s15 =	sadd.s32 $0x1080, s7  }
0x24: {  	s16 =	sadd.s32 $0x1100, s7;
	s17 =	sadd.s32 $0x1180, s7;
	s26 =	sadd.s32 $0x2840, s7  }
0x25: {  	s18 =	sadd.s32 $0x1200, s7;
	s19 =	sadd.s32 $0x1280, s7;
	s20 =	sadd.s32 $0x1300, s7;
	v0 =	vmov s26  }
0x26: {  	s21 =	sadd.s32 $0x1380, s7;
	s22 =	simm.s32 $0x2800;
	s23 =	simm.s32 $0x2  }
0x27: {  	v1 =	vimm.f32 $0.0e+00;
	s24 =	simm.s32 $0x1;
	s25 =	simm.s32 $0x80;
	s26 =	simm.s32 $0x0  }
.LBB2_1:
0x28: {  	s28 =	rddreg [dreg:$0x4]  }
0x29: {  	[tilespmem:s3], [sflag:$0x1] =	stream.linear.gather [hbm4b:s28+s3], $0x2800, $0x38;
	[tilespmem:$0x7D00] =	vst v63  }
0x2a: {  	s28 =	rddreg [dreg:$0x5]  }
0x2b: {  	[tilespmem:s22], [sflag:$0x1] =	stream.linear.gather [hbm4b:s28+s3], $0x2800, $0x38;
	[tilespmem:$0x7D00] =	vst v63  }
0x2c: {  	[tilespmem:$0x5000] =	vst v1  }
0x2d: {  	[tilespmem:$0x5010] =	vst v1  }
0x2e: {  	[tilespmem:$0x5020] =	vst v1  }
0x2f: {  	[tilespmem:$0x5030] =	vst v1  }
0x30: {  	[tilespmem:$0x5040] =	vst v1  }
0x31: {  	[tilespmem:$0x5050] =	vst v1  }
0x32: {  	[tilespmem:$0x5060] =	vst v1  }
0x33: {  	[tilespmem:$0x5070] =	vst v1  }
0x34: {  	[tilespmem:$0x5080] =	vst v1  }
0x35: {  	[tilespmem:$0x5090] =	vst v1  }
0x36: {  	[tilespmem:$0x50A0] =	vst v1  }
0x37: {  	[tilespmem:$0x50B0] =	vst v1  }
0x38: {  	[tilespmem:$0x50C0] =	vst v1  }
0x39: {  	[tilespmem:$0x50D0] =	vst v1  }
0x3a: {  	[tilespmem:$0x50E0] =	vst v1  }
0x3b: {  	[tilespmem:$0x50F0] =	vst v1  }
0x3c: {  	[tilespmem:$0x5100] =	vst v1  }
0x3d: {  	[tilespmem:$0x5110] =	vst v1  }
0x3e: {  	[tilespmem:$0x5120] =	vst v1  }
0x3f: {  	[tilespmem:$0x5130] =	vst v1  }
0x40: {  	[tilespmem:$0x5140] =	vst v1  }
0x41: {  	[tilespmem:$0x5150] =	vst v1  }
0x42: {  	[tilespmem:$0x5160] =	vst v1  }
0x43: {  	[tilespmem:$0x5170] =	vst v1  }
0x44: {  	[tilespmem:$0x5180] =	vst v1  }
0x45: {  	[tilespmem:$0x5190] =	vst v1  }
0x46: {  	[tilespmem:$0x51A0] =	vst v1  }
0x47: {  	[tilespmem:$0x51B0] =	vst v1  }
0x48: {  	[tilespmem:$0x51C0] =	vst v1  }
0x49: {  	[tilespmem:$0x51D0] =	vst v1  }
0x4a: {  	[tilespmem:$0x51E0] =	vst v1  }
0x4b: {  	[tilespmem:$0x51F0] =	vst v1  }
0x4c: {  	[tilespmem:$0x5200] =	vst v1  }
0x4d: {  	[tilespmem:$0x5210] =	vst v1  }
0x4e: {  	[tilespmem:$0x5220] =	vst v1  }
0x4f: {  	[tilespmem:$0x5230] =	vst v1  }
0x50: {  	[tilespmem:$0x5240] =	vst v1  }
0x51: {  	[tilespmem:$0x5250] =	vst v1  }
0x52: {  	[tilespmem:$0x5260] =	vst v1  }
0x53: {  	s29 =	simm.s32 $0x5000;
	s28 =	rddreg [dreg:$0x6];
	[tilespmem:$0x5270] =	vst v1  }
0x54: {  	[spmem:s28] =	stream.linear.scatter [tilespmem:s29], [sflag:$0x2], $0x280, $0x38;
	[tilespmem:$0x7D00] =	vst v63  }
0x55: {  	_ =	swait.ge [sflag:s23], $0x280  }
0x56: {  	[sflag:s23] =	ssyncset.done $0x0  }
0x57: {  	[sflag:s23] =	ssyncadd.s32 $0xFFFFFD80  }
0x58: {  	_ =	swait.ge [sflag:s24], $0x2800  }
0x59: {  	[sflag:s24] =	ssyncset.done $0x0  }
0x5a: {  	[sflag:s24] =	ssyncadd.s32 $0xFFFFD800  }
0x5b: {  	_ =	swait.ge [sflag:s24], $0x2800  }
0x5c: {  	[sflag:s24] =	ssyncset.done $0x0  }
0x5d: {  	[sflag:s24] =	ssyncadd.s32 $0xFFFFD800  }
0x5e: {  	[bflag:$0x0] =	sbarrier.arrive $0xFFFF  }
0x5f: {  	[spmem:s2] =	stream.indirect.scatter.add.f32 [tilespmem:s22], [sflag:$0x1], $0x1, s3, s25, $0xb8;
	[tilespmem:$0x7D00] =	vst v63  }
0x60: {  	s28 =	simm.s32 $0x2880  }
0x61: {  	[spmem:s2] =	stream.indirect.scatter.add.f32 [tilespmem:s28], [sflag:$0x1], $0x1, s25, s25, $0xb8;
	[tilespmem:$0x7D00] =	vst v63  }
0x62: {  	s29 =	simm.s32 $0x2900;
	s28 =	simm.s32 $0x100  }
0x63: {  	[spmem:s2] =	stream.indirect.scatter.add.f32 [tilespmem:s29], [sflag:$0x1], $0x1, s28, s25, $0xb8;
	[tilespmem:$0x7D00] =	vst v63  }
0x64: {  	s28 =	simm.s32 $0x180;
	s29 =	simm.s32 $0x2980  }
0x65: {  	[spmem:s2] =	stream.indirect.scatter.add.f32 [tilespmem:s29], [sflag:$0x1], $0x1, s28, s25, $0xb8;
	[tilespmem:$0x7D00] =	vst v63  }
0x66: {  	s28 =	simm.s32 $0x200;
	s29 =	simm.s32 $0x2A00  }
0x67: {  	[spmem:s2] =	stream.indirect.scatter.add.f32 [tilespmem:s29], [sflag:$0x1], $0x1, s28, s25, $0xb8;
	[tilespmem:$0x7D00] =	vst v63  }
0x68: {  	s28 =	simm.s32 $0x280;
	s29 =	simm.s32 $0x2A80  }
0x69: {  	[spmem:s2] =	stream.indirect.scatter.add.f32 [tilespmem:s29], [sflag:$0x1], $0x1, s28, s25, $0xb8;
	[tilespmem:$0x7D00] =	vst v63  }
0x6a: {  	s28 =	simm.s32 $0x300;
	s29 =	simm.s32 $0x2B00  }
0x6b: {  	[spmem:s2] =	stream.indirect.scatter.add.f32 [tilespmem:s29], [sflag:$0x1], $0x1, s28, s25, $0xb8;
	[tilespmem:$0x7D00] =	vst v63  }
0x6c: {  	s28 =	simm.s32 $0x380;
	s29 =	simm.s32 $0x2B80  }
0x6d: {  	[spmem:s2] =	stream.indirect.scatter.add.f32 [tilespmem:s29], [sflag:$0x1], $0x1, s28, s25, $0xb8;
	[tilespmem:$0x7D00] =	vst v63  }
0x6e: {  	s28 =	simm.s32 $0x400;
	s29 =	simm.s32 $0x2C00  }
0x6f: {  	[spmem:s2] =	stream.indirect.scatter.add.f32 [tilespmem:s29], [sflag:$0x1], $0x1, s28, s25, $0xb8;
	[tilespmem:$0x7D00] =	vst v63  }
0x70: {  	s28 =	simm.s32 $0x480;
	s29 =	simm.s32 $0x2C80  }
0x71: {  	[spmem:s2] =	stream.indirect.scatter.add.f32 [tilespmem:s29], [sflag:$0x1], $0x1, s28, s25, $0xb8;
	[tilespmem:$0x7D00] =	vst v63  }
0x72: {  	s28 =	simm.s32 $0x500;
	s29 =	simm.s32 $0x2D00  }
0x73: {  	[spmem:s2] =	stream.indirect.scatter.add.f32 [tilespmem:s29], [sflag:$0x1], $0x1, s28, s25, $0xb8;
	[tilespmem:$0x7D00] =	vst v63  }
0x74: {  	s28 =	simm.s32 $0x580;
	s29 =	simm.s32 $0x2D80  }
0x75: {  	[spmem:s2] =	stream.indirect.scatter.add.f32 [tilespmem:s29], [sflag:$0x1], $0x1, s28, s25, $0xb8;
	[tilespmem:$0x7D00] =	vst v63  }
0x76: {  	s28 =	simm.s32 $0x600;
	s29 =	simm.s32 $0x2E00  }
0x77: {  	[spmem:s2] =	stream.indirect.scatter.add.f32 [tilespmem:s29], [sflag:$0x1], $0x1, s28, s25, $0xb8;
	[tilespmem:$0x7D00] =	vst v63  }
0x78: {  	s28 =	simm.s32 $0x680;
	s29 =	simm.s32 $0x2E80  }
0x79: {  	[spmem:s2] =	stream.indirect.scatter.add.f32 [tilespmem:s29], [sflag:$0x1], $0x1, s28, s25, $0xb8;
	[tilespmem:$0x7D00] =	vst v63  }
0x7a: {  	s28 =	simm.s32 $0x700;
	s29 =	simm.s32 $0x2F00  }
0x7b: {  	[spmem:s2] =	stream.indirect.scatter.add.f32 [tilespmem:s29], [sflag:$0x1], $0x1, s28, s25, $0xb8;
	[tilespmem:$0x7D00] =	vst v63  }
0x7c: {  	s28 =	simm.s32 $0x780;
	s29 =	simm.s32 $0x2F80  }
0x7d: {  	[spmem:s2] =	stream.indirect.scatter.add.f32 [tilespmem:s29], [sflag:$0x1], $0x1, s28, s25, $0xb8;
	[tilespmem:$0x7D00] =	vst v63  }
0x7e: {  	s28 =	simm.s32 $0x800;
	s29 =	simm.s32 $0x3000  }
0x7f: {  	[spmem:s2] =	stream.indirect.scatter.add.f32 [tilespmem:s29], [sflag:$0x1], $0x1, s28, s25, $0xb8;
	[tilespmem:$0x7D00] =	vst v63  }
0x80: {  	s28 =	simm.s32 $0x880;
	s29 =	simm.s32 $0x3080  }
0x81: {  	[spmem:s2] =	stream.indirect.scatter.add.f32 [tilespmem:s29], [sflag:$0x1], $0x1, s28, s25, $0xb8;
	[tilespmem:$0x7D00] =	vst v63  }
0x82: {  	s28 =	simm.s32 $0x900;
	s29 =	simm.s32 $0x3100  }
0x83: {  	[spmem:s2] =	stream.indirect.scatter.add.f32 [tilespmem:s29], [sflag:$0x1], $0x1, s28, s25, $0xb8;
	[tilespmem:$0x7D00] =	vst v63  }
0x84: {  	s28 =	simm.s32 $0x980;
	s29 =	simm.s32 $0x3180  }
0x85: {  	[spmem:s2] =	stream.indirect.scatter.add.f32 [tilespmem:s29], [sflag:$0x1], $0x1, s28, s25, $0xb8;
	[tilespmem:$0x7D00] =	vst v63  }
0x86: {  	s28 =	simm.s32 $0xA00;
	s29 =	simm.s32 $0x3200  }
0x87: {  	[spmem:s2] =	stream.indirect.scatter.add.f32 [tilespmem:s29], [sflag:$0x1], $0x1, s28, s25, $0xb8;
	[tilespmem:$0x7D00] =	vst v63  }
0x88: {  	s28 =	simm.s32 $0xA80;
	s29 =	simm.s32 $0x3280  }
0x89: {  	[spmem:s2] =	stream.indirect.scatter.add.f32 [tilespmem:s29], [sflag:$0x1], $0x1, s28, s25, $0xb8;
	[tilespmem:$0x7D00] =	vst v63  }
0x8a: {  	s28 =	simm.s32 $0xB00;
	s29 =	simm.s32 $0x3300  }
0x8b: {  	[spmem:s2] =	stream.indirect.scatter.add.f32 [tilespmem:s29], [sflag:$0x1], $0x1, s28, s25, $0xb8;
	[tilespmem:$0x7D00] =	vst v63  }
0x8c: {  	s28 =	simm.s32 $0xB80;
	s29 =	simm.s32 $0x3380  }
0x8d: {  	[spmem:s2] =	stream.indirect.scatter.add.f32 [tilespmem:s29], [sflag:$0x1], $0x1, s28, s25, $0xb8;
	[tilespmem:$0x7D00] =	vst v63  }
0x8e: {  	s28 =	simm.s32 $0xC00;
	s29 =	simm.s32 $0x3400  }
0x8f: {  	[spmem:s2] =	stream.indirect.scatter.add.f32 [tilespmem:s29], [sflag:$0x1], $0x1, s28, s25, $0xb8;
	[tilespmem:$0x7D00] =	vst v63  }
0x90: {  	s28 =	simm.s32 $0xC80;
	s29 =	simm.s32 $0x3480  }
0x91: {  	[spmem:s2] =	stream.indirect.scatter.add.f32 [tilespmem:s29], [sflag:$0x1], $0x1, s28, s25, $0xb8;
	[tilespmem:$0x7D00] =	vst v63  }
0x92: {  	s28 =	simm.s32 $0xD00;
	s29 =	simm.s32 $0x3500  }
0x93: {  	[spmem:s2] =	stream.indirect.scatter.add.f32 [tilespmem:s29], [sflag:$0x1], $0x1, s28, s25, $0xb8;
	[tilespmem:$0x7D00] =	vst v63  }
0x94: {  	s28 =	simm.s32 $0xD80;
	s29 =	simm.s32 $0x3580  }
0x95: {  	[spmem:s2] =	stream.indirect.scatter.add.f32 [tilespmem:s29], [sflag:$0x1], $0x1, s28, s25, $0xb8;
	[tilespmem:$0x7D00] =	vst v63  }
0x96: {  	s28 =	simm.s32 $0xE00;
	s29 =	simm.s32 $0x3600  }
0x97: {  	[spmem:s2] =	stream.indirect.scatter.add.f32 [tilespmem:s29], [sflag:$0x1], $0x1, s28, s25, $0xb8;
	[tilespmem:$0x7D00] =	vst v63  }
0x98: {  	s28 =	simm.s32 $0xE80;
	s29 =	simm.s32 $0x3680  }
0x99: {  	[spmem:s2] =	stream.indirect.scatter.add.f32 [tilespmem:s29], [sflag:$0x1], $0x1, s28, s25, $0xb8;
	[tilespmem:$0x7D00] =	vst v63  }
0x9a: {  	s28 =	simm.s32 $0xF00;
	s29 =	simm.s32 $0x3700  }
0x9b: {  	[spmem:s2] =	stream.indirect.scatter.add.f32 [tilespmem:s29], [sflag:$0x1], $0x1, s28, s25, $0xb8;
	[tilespmem:$0x7D00] =	vst v63  }
0x9c: {  	s28 =	simm.s32 $0xF80;
	s29 =	simm.s32 $0x3780  }
0x9d: {  	[spmem:s2] =	stream.indirect.scatter.add.f32 [tilespmem:s29], [sflag:$0x1], $0x1, s28, s25, $0xb8;
	[tilespmem:$0x7D00] =	vst v63  }
0x9e: {  	s28 =	simm.s32 $0x1000;
	s29 =	simm.s32 $0x3800  }
0x9f: {  	[spmem:s2] =	stream.indirect.scatter.add.f32 [tilespmem:s29], [sflag:$0x1], $0x1, s28, s25, $0xb8;
	[tilespmem:$0x7D00] =	vst v63  }
0xa0: {  	s28 =	simm.s32 $0x1080;
	s29 =	simm.s32 $0x3880  }
0xa1: {  	[spmem:s2] =	stream.indirect.scatter.add.f32 [tilespmem:s29], [sflag:$0x1], $0x1, s28, s25, $0xb8;
	[tilespmem:$0x7D00] =	vst v63  }
0xa2: {  	s28 =	simm.s32 $0x1100;
	s29 =	simm.s32 $0x3900  }
0xa3: {  	[spmem:s2] =	stream.indirect.scatter.add.f32 [tilespmem:s29], [sflag:$0x1], $0x1, s28, s25, $0xb8;
	[tilespmem:$0x7D00] =	vst v63  }
0xa4: {  	s28 =	simm.s32 $0x1180;
	s29 =	simm.s32 $0x3980  }
0xa5: {  	[spmem:s2] =	stream.indirect.scatter.add.f32 [tilespmem:s29], [sflag:$0x1], $0x1, s28, s25, $0xb8;
	[tilespmem:$0x7D00] =	vst v63  }
0xa6: {  	s28 =	simm.s32 $0x1200;
	s29 =	simm.s32 $0x3A00  }
0xa7: {  	[spmem:s2] =	stream.indirect.scatter.add.f32 [tilespmem:s29], [sflag:$0x1], $0x1, s28, s25, $0xb8;
	[tilespmem:$0x7D00] =	vst v63  }
0xa8: {  	s28 =	simm.s32 $0x1280;
	s29 =	simm.s32 $0x3A80  }
0xa9: {  	[spmem:s2] =	stream.indirect.scatter.add.f32 [tilespmem:s29], [sflag:$0x1], $0x1, s28, s25, $0xb8;
	[tilespmem:$0x7D00] =	vst v63  }
0xaa: {  	s28 =	simm.s32 $0x1300;
	s29 =	simm.s32 $0x3B00  }
0xab: {  	[spmem:s2] =	stream.indirect.scatter.add.f32 [tilespmem:s29], [sflag:$0x1], $0x1, s28, s25, $0xb8;
	[tilespmem:$0x7D00] =	vst v63  }
0xac: {  	s28 =	simm.s32 $0x1380;
	s29 =	simm.s32 $0x3B80  }
0xad: {  	[spmem:s2] =	stream.indirect.scatter.add.f32 [tilespmem:s29], [sflag:$0x1], $0x1, s28, s25, $0xb8;
	[tilespmem:$0x7D00] =	vst v63  }
0xae: {  	s28 =	simm.s32 $0x1400;
	s29 =	simm.s32 $0x3C00  }
0xaf: {  	[spmem:s2] =	stream.indirect.scatter.add.f32 [tilespmem:s29], [sflag:$0x1], $0x1, s28, s25, $0xb8;
	[tilespmem:$0x7D00] =	vst v63  }
0xb0: {  	s28 =	simm.s32 $0x1480;
	s29 =	simm.s32 $0x3C80  }
0xb1: {  	[spmem:s2] =	stream.indirect.scatter.add.f32 [tilespmem:s29], [sflag:$0x1], $0x1, s28, s25, $0xb8;
	[tilespmem:$0x7D00] =	vst v63  }
0xb2: {  	s28 =	simm.s32 $0x1500;
	s29 =	simm.s32 $0x3D00  }
0xb3: {  	[spmem:s2] =	stream.indirect.scatter.add.f32 [tilespmem:s29], [sflag:$0x1], $0x1, s28, s25, $0xb8;
	[tilespmem:$0x7D00] =	vst v63  }
0xb4: {  	s28 =	simm.s32 $0x1580;
	s29 =	simm.s32 $0x3D80  }
0xb5: {  	[spmem:s2] =	stream.indirect.scatter.add.f32 [tilespmem:s29], [sflag:$0x1], $0x1, s28, s25, $0xb8;
	[tilespmem:$0x7D00] =	vst v63  }
0xb6: {  	s28 =	simm.s32 $0x1600;
	s29 =	simm.s32 $0x3E00  }
0xb7: {  	[spmem:s2] =	stream.indirect.scatter.add.f32 [tilespmem:s29], [sflag:$0x1], $0x1, s28, s25, $0xb8;
	[tilespmem:$0x7D00] =	vst v63  }
0xb8: {  	s28 =	simm.s32 $0x1680;
	s29 =	simm.s32 $0x3E80  }
0xb9: {  	[spmem:s2] =	stream.indirect.scatter.add.f32 [tilespmem:s29], [sflag:$0x1], $0x1, s28, s25, $0xb8;
	[tilespmem:$0x7D00] =	vst v63  }
0xba: {  	s28 =	simm.s32 $0x1700;
	s29 =	simm.s32 $0x3F00  }
0xbb: {  	[spmem:s2] =	stream.indirect.scatter.add.f32 [tilespmem:s29], [sflag:$0x1], $0x1, s28, s25, $0xb8;
	[tilespmem:$0x7D00] =	vst v63  }
0xbc: {  	s28 =	simm.s32 $0x1780;
	s29 =	simm.s32 $0x3F80  }
0xbd: {  	[spmem:s2] =	stream.indirect.scatter.add.f32 [tilespmem:s29], [sflag:$0x1], $0x1, s28, s25, $0xb8;
	[tilespmem:$0x7D00] =	vst v63  }
0xbe: {  	s28 =	simm.s32 $0x1800;
	s29 =	simm.s32 $0x4000  }
0xbf: {  	[spmem:s2] =	stream.indirect.scatter.add.f32 [tilespmem:s29], [sflag:$0x1], $0x1, s28, s25, $0xb8;
	[tilespmem:$0x7D00] =	vst v63  }
0xc0: {  	s28 =	simm.s32 $0x1880;
	s29 =	simm.s32 $0x4080  }
0xc1: {  	[spmem:s2] =	stream.indirect.scatter.add.f32 [tilespmem:s29], [sflag:$0x1], $0x1, s28, s25, $0xb8;
	[tilespmem:$0x7D00] =	vst v63  }
0xc2: {  	s28 =	simm.s32 $0x1900;
	s29 =	simm.s32 $0x4100  }
0xc3: {  	[spmem:s2] =	stream.indirect.scatter.add.f32 [tilespmem:s29], [sflag:$0x1], $0x1, s28, s25, $0xb8;
	[tilespmem:$0x7D00] =	vst v63  }
0xc4: {  	s28 =	simm.s32 $0x1980;
	s29 =	simm.s32 $0x4180  }
0xc5: {  	[spmem:s2] =	stream.indirect.scatter.add.f32 [tilespmem:s29], [sflag:$0x1], $0x1, s28, s25, $0xb8;
	[tilespmem:$0x7D00] =	vst v63  }
0xc6: {  	s28 =	simm.s32 $0x1A00;
	s29 =	simm.s32 $0x4200  }
0xc7: {  	[spmem:s2] =	stream.indirect.scatter.add.f32 [tilespmem:s29], [sflag:$0x1], $0x1, s28, s25, $0xb8;
	[tilespmem:$0x7D00] =	vst v63  }
0xc8: {  	s28 =	simm.s32 $0x1A80;
	s29 =	simm.s32 $0x4280  }
0xc9: {  	[spmem:s2] =	stream.indirect.scatter.add.f32 [tilespmem:s29], [sflag:$0x1], $0x1, s28, s25, $0xb8;
	[tilespmem:$0x7D00] =	vst v63  }
0xca: {  	s28 =	simm.s32 $0x1B00;
	s29 =	simm.s32 $0x4300  }
0xcb: {  	[spmem:s2] =	stream.indirect.scatter.add.f32 [tilespmem:s29], [sflag:$0x1], $0x1, s28, s25, $0xb8;
	[tilespmem:$0x7D00] =	vst v63  }
0xcc: {  	s28 =	simm.s32 $0x1B80;
	s29 =	simm.s32 $0x4380  }
0xcd: {  	[spmem:s2] =	stream.indirect.scatter.add.f32 [tilespmem:s29], [sflag:$0x1], $0x1, s28, s25, $0xb8;
	[tilespmem:$0x7D00] =	vst v63  }
0xce: {  	s28 =	simm.s32 $0x1C00;
	s29 =	simm.s32 $0x4400  }
0xcf: {  	[spmem:s2] =	stream.indirect.scatter.add.f32 [tilespmem:s29], [sflag:$0x1], $0x1, s28, s25, $0xb8;
	[tilespmem:$0x7D00] =	vst v63  }
0xd0: {  	s28 =	simm.s32 $0x1C80;
	s29 =	simm.s32 $0x4480  }
0xd1: {  	[spmem:s2] =	stream.indirect.scatter.add.f32 [tilespmem:s29], [sflag:$0x1], $0x1, s28, s25, $0xb8;
	[tilespmem:$0x7D00] =	vst v63  }
0xd2: {  	s28 =	simm.s32 $0x1D00;
	s29 =	simm.s32 $0x4500  }
0xd3: {  	[spmem:s2] =	stream.indirect.scatter.add.f32 [tilespmem:s29], [sflag:$0x1], $0x1, s28, s25, $0xb8;
	[tilespmem:$0x7D00] =	vst v63  }
0xd4: {  	s28 =	simm.s32 $0x1D80;
	s29 =	simm.s32 $0x4580  }
0xd5: {  	[spmem:s2] =	stream.indirect.scatter.add.f32 [tilespmem:s29], [sflag:$0x1], $0x1, s28, s25, $0xb8;
	[tilespmem:$0x7D00] =	vst v63  }
0xd6: {  	s28 =	simm.s32 $0x1E00;
	s29 =	simm.s32 $0x4600  }
0xd7: {  	[spmem:s2] =	stream.indirect.scatter.add.f32 [tilespmem:s29], [sflag:$0x1], $0x1, s28, s25, $0xb8;
	[tilespmem:$0x7D00] =	vst v63  }
0xd8: {  	s28 =	simm.s32 $0x1E80;
	s29 =	simm.s32 $0x4680  }
0xd9: {  	[spmem:s2] =	stream.indirect.scatter.add.f32 [tilespmem:s29], [sflag:$0x1], $0x1, s28, s25, $0xb8;
	[tilespmem:$0x7D00] =	vst v63  }
0xda: {  	s28 =	simm.s32 $0x1F00;
	s29 =	simm.s32 $0x4700  }
0xdb: {  	[spmem:s2] =	stream.indirect.scatter.add.f32 [tilespmem:s29], [sflag:$0x1], $0x1, s28, s25, $0xb8;
	[tilespmem:$0x7D00] =	vst v63  }
0xdc: {  	s28 =	simm.s32 $0x1F80;
	s29 =	simm.s32 $0x4780  }
0xdd: {  	[spmem:s2] =	stream.indirect.scatter.add.f32 [tilespmem:s29], [sflag:$0x1], $0x1, s28, s25, $0xb8;
	[tilespmem:$0x7D00] =	vst v63  }
0xde: {  	s28 =	simm.s32 $0x2000;
	s29 =	simm.s32 $0x4800  }
0xdf: {  	[spmem:s2] =	stream.indirect.scatter.add.f32 [tilespmem:s29], [sflag:$0x1], $0x1, s28, s25, $0xb8;
	[tilespmem:$0x7D00] =	vst v63  }
0xe0: {  	s28 =	simm.s32 $0x2080;
	s29 =	simm.s32 $0x4880  }
0xe1: {  	[spmem:s2] =	stream.indirect.scatter.add.f32 [tilespmem:s29], [sflag:$0x1], $0x1, s28, s25, $0xb8;
	[tilespmem:$0x7D00] =	vst v63  }
0xe2: {  	s28 =	simm.s32 $0x2100;
	s29 =	simm.s32 $0x4900  }
0xe3: {  	[spmem:s2] =	stream.indirect.scatter.add.f32 [tilespmem:s29], [sflag:$0x1], $0x1, s28, s25, $0xb8;
	[tilespmem:$0x7D00] =	vst v63  }
0xe4: {  	s28 =	simm.s32 $0x2180;
	s29 =	simm.s32 $0x4980  }
0xe5: {  	[spmem:s2] =	stream.indirect.scatter.add.f32 [tilespmem:s29], [sflag:$0x1], $0x1, s28, s25, $0xb8;
	[tilespmem:$0x7D00] =	vst v63  }
0xe6: {  	s28 =	simm.s32 $0x2200;
	s29 =	simm.s32 $0x4A00  }
0xe7: {  	[spmem:s2] =	stream.indirect.scatter.add.f32 [tilespmem:s29], [sflag:$0x1], $0x1, s28, s25, $0xb8;
	[tilespmem:$0x7D00] =	vst v63  }
0xe8: {  	s28 =	simm.s32 $0x2280;
	s29 =	simm.s32 $0x4A80  }
0xe9: {  	[spmem:s2] =	stream.indirect.scatter.add.f32 [tilespmem:s29], [sflag:$0x1], $0x1, s28, s25, $0xb8;
	[tilespmem:$0x7D00] =	vst v63  }
0xea: {  	s28 =	simm.s32 $0x2300;
	s29 =	simm.s32 $0x4B00  }
0xeb: {  	[spmem:s2] =	stream.indirect.scatter.add.f32 [tilespmem:s29], [sflag:$0x1], $0x1, s28, s25, $0xb8;
	[tilespmem:$0x7D00] =	vst v63  }
0xec: {  	s28 =	simm.s32 $0x2380;
	s29 =	simm.s32 $0x4B80  }
0xed: {  	[spmem:s2] =	stream.indirect.scatter.add.f32 [tilespmem:s29], [sflag:$0x1], $0x1, s28, s25, $0xb8;
	[tilespmem:$0x7D00] =	vst v63  }
0xee: {  	s28 =	simm.s32 $0x2400;
	s29 =	simm.s32 $0x4C00  }
0xef: {  	[spmem:s2] =	stream.indirect.scatter.add.f32 [tilespmem:s29], [sflag:$0x1], $0x1, s28, s25, $0xb8;
	[tilespmem:$0x7D00] =	vst v63  }
0xf0: {  	s28 =	simm.s32 $0x2480;
	s29 =	simm.s32 $0x4C80  }
0xf1: {  	[spmem:s2] =	stream.indirect.scatter.add.f32 [tilespmem:s29], [sflag:$0x1], $0x1, s28, s25, $0xb8;
	[tilespmem:$0x7D00] =	vst v63  }
0xf2: {  	s28 =	simm.s32 $0x2500;
	s29 =	simm.s32 $0x4D00  }
0xf3: {  	[spmem:s2] =	stream.indirect.scatter.add.f32 [tilespmem:s29], [sflag:$0x1], $0x1, s28, s25, $0xb8;
	[tilespmem:$0x7D00] =	vst v63  }
0xf4: {  	s28 =	simm.s32 $0x2580;
	s29 =	simm.s32 $0x4D80  }
0xf5: {  	[spmem:s2] =	stream.indirect.scatter.add.f32 [tilespmem:s29], [sflag:$0x1], $0x1, s28, s25, $0xb8;
	[tilespmem:$0x7D00] =	vst v63  }
0xf6: {  	s28 =	simm.s32 $0x2600;
	s29 =	simm.s32 $0x4E00  }
0xf7: {  	[spmem:s2] =	stream.indirect.scatter.add.f32 [tilespmem:s29], [sflag:$0x1], $0x1, s28, s25, $0xb8;
	[tilespmem:$0x7D00] =	vst v63  }
0xf8: {  	s28 =	simm.s32 $0x2680;
	s29 =	simm.s32 $0x4E80  }
0xf9: {  	[spmem:s2] =	stream.indirect.scatter.add.f32 [tilespmem:s29], [sflag:$0x1], $0x1, s28, s25, $0xb8;
	[tilespmem:$0x7D00] =	vst v63  }
0xfa: {  	s28 =	simm.s32 $0x2700;
	s29 =	simm.s32 $0x4F00  }
0xfb: {  	[spmem:s2] =	stream.indirect.scatter.add.f32 [tilespmem:s29], [sflag:$0x1], $0x1, s28, s25, $0xb8;
	[tilespmem:$0x7D00] =	vst v63  }
0xfc: {  	s28 =	simm.s32 $0x2780;
	s29 =	simm.s32 $0x4F80  }
0xfd: {  	[spmem:s2] =	stream.indirect.scatter.add.f32 [tilespmem:s29], [sflag:$0x1], $0x1, s28, s25, $0xb8;
	[tilespmem:$0x7D00] =	vst v63  }
0xfe: {  	_ =	swait.ge [sflag:s24], $0x2800  }
0xff: {  	[sflag:s24] =	ssyncset.done $0x0  }
0x100: {  	[sflag:s24] =	ssyncadd.s32 $0xFFFFD800  }
0x101: {  	s28 =	simm.s32 $0x5280;
	[bflag:$0x0] =	sbarrier.arrive $0xFFFF  }
0x102: {  	[tilespmem:s28], [sflag:$0x1] =	stream.indirect.gather [spmem:s2], $0x1, s7, s25, $0xb8;
	[tilespmem:$0x7D00] =	vst v63  }
0x103: {  	s29 =	simm.s32 $0x5300;
	s28 =	rddreg [dreg:$0x8]  }
0x104: {  	[tilespmem:s29], [sflag:$0x1] =	stream.indirect.gather [spmem:s2], $0x1, s28, s25, $0xb8;
	[tilespmem:$0x7D00] =	vst v63  }
0x105: {  	s28 =	rddreg [dreg:$0x9];
	s29 =	simm.s32 $0x5380  }
0x106: {  	[tilespmem:s29], [sflag:$0x1] =	stream.indirect.gather [spmem:s2], $0x1, s28, s25, $0xb8;
	[tilespmem:$0x7D00] =	vst v63  }
0x107: {  	s28 =	rddreg [dreg:$0xa];
	s29 =	simm.s32 $0x5400  }
0x108: {  	[tilespmem:s29], [sflag:$0x1] =	stream.indirect.gather [spmem:s2], $0x1, s28, s25, $0xb8;
	[tilespmem:$0x7D00] =	vst v63  }
0x109: {  	s28 =	rddreg [dreg:$0xb];
	s29 =	simm.s32 $0x5480  }
0x10a: {  	[tilespmem:s29], [sflag:$0x1] =	stream.indirect.gather [spmem:s2], $0x1, s28, s25, $0xb8;
	[tilespmem:$0x7D00] =	vst v63  }
0x10b: {  	s28 =	rddreg [dreg:$0xc];
	s29 =	simm.s32 $0x5500  }
0x10c: {  	[tilespmem:s29], [sflag:$0x1] =	stream.indirect.gather [spmem:s2], $0x1, s28, s25, $0xb8;
	[tilespmem:$0x7D00] =	vst v63  }
0x10d: {  	s28 =	rddreg [dreg:$0xd];
	s29 =	simm.s32 $0x5580  }
0x10e: {  	[tilespmem:s29], [sflag:$0x1] =	stream.indirect.gather [spmem:s2], $0x1, s28, s25, $0xb8;
	[tilespmem:$0x7D00] =	vst v63  }
0x10f: {  	s28 =	rddreg [dreg:$0xe];
	s29 =	simm.s32 $0x5600  }
0x110: {  	[tilespmem:s29], [sflag:$0x1] =	stream.indirect.gather [spmem:s2], $0x1, s28, s25, $0xb8;
	[tilespmem:$0x7D00] =	vst v63  }
0x111: {  	s28 =	rddreg [dreg:$0xf];
	s29 =	simm.s32 $0x5680  }
0x112: {  	[tilespmem:s29], [sflag:$0x1] =	stream.indirect.gather [spmem:s2], $0x1, s28, s25, $0xb8;
	[tilespmem:$0x7D00] =	vst v63  }
0x113: {  	s28 =	rddreg [dreg:$0x10];
	s29 =	simm.s32 $0x5700  }
0x114: {  	[tilespmem:s29], [sflag:$0x1] =	stream.indirect.gather [spmem:s2], $0x1, s28, s25, $0xb8;
	[tilespmem:$0x7D00] =	vst v63  }
0x115: {  	s28 =	rddreg [dreg:$0x11];
	s29 =	simm.s32 $0x5780  }
0x116: {  	[tilespmem:s29], [sflag:$0x1] =	stream.indirect.gather [spmem:s2], $0x1, s28, s25, $0xb8;
	[tilespmem:$0x7D00] =	vst v63  }
0x117: {  	s28 =	rddreg [dreg:$0x12];
	s29 =	simm.s32 $0x5800  }
0x118: {  	[tilespmem:s29], [sflag:$0x1] =	stream.indirect.gather [spmem:s2], $0x1, s28, s25, $0xb8;
	[tilespmem:$0x7D00] =	vst v63  }
0x119: {  	s28 =	rddreg [dreg:$0x13];
	s29 =	simm.s32 $0x5880  }
0x11a: {  	[tilespmem:s29], [sflag:$0x1] =	stream.indirect.gather [spmem:s2], $0x1, s28, s25, $0xb8;
	[tilespmem:$0x7D00] =	vst v63  }
0x11b: {  	s28 =	rddreg [dreg:$0x14];
	s29 =	simm.s32 $0x5900  }
0x11c: {  	[tilespmem:s29], [sflag:$0x1] =	stream.indirect.gather [spmem:s2], $0x1, s28, s25, $0xb8;
	[tilespmem:$0x7D00] =	vst v63  }
0x11d: {  	s28 =	rddreg [dreg:$0x15];
	s29 =	simm.s32 $0x5980  }
0x11e: {  	[tilespmem:s29], [sflag:$0x1] =	stream.indirect.gather [spmem:s2], $0x1, s28, s25, $0xb8;
	[tilespmem:$0x7D00] =	vst v63  }
0x11f: {  	s28 =	rddreg [dreg:$0x16];
	s29 =	simm.s32 $0x5A00  }
0x120: {  	[tilespmem:s29], [sflag:$0x1] =	stream.indirect.gather [spmem:s2], $0x1, s28, s25, $0xb8;
	[tilespmem:$0x7D00] =	vst v63  }
0x121: {  	s28 =	rddreg [dreg:$0x17];
	s29 =	simm.s32 $0x5A80  }
0x122: {  	[tilespmem:s29], [sflag:$0x1] =	stream.indirect.gather [spmem:s2], $0x1, s28, s25, $0xb8;
	[tilespmem:$0x7D00] =	vst v63  }
0x123: {  	s28 =	rddreg [dreg:$0x18];
	s29 =	simm.s32 $0x5B00  }
0x124: {  	[tilespmem:s29], [sflag:$0x1] =	stream.indirect.gather [spmem:s2], $0x1, s28, s25, $0xb8;
	[tilespmem:$0x7D00] =	vst v63  }
0x125: {  	s28 =	rddreg [dreg:$0x19];
	s29 =	simm.s32 $0x5B80  }
0x126: {  	[tilespmem:s29], [sflag:$0x1] =	stream.indirect.gather [spmem:s2], $0x1, s28, s25, $0xb8;
	[tilespmem:$0x7D00] =	vst v63  }
0x127: {  	s28 =	rddreg [dreg:$0x1a];
	s29 =	simm.s32 $0x5C00  }
0x128: {  	[tilespmem:s29], [sflag:$0x1] =	stream.indirect.gather [spmem:s2], $0x1, s28, s25, $0xb8;
	[tilespmem:$0x7D00] =	vst v63  }
0x129: {  	s28 =	rddreg [dreg:$0x1b];
	s29 =	simm.s32 $0x5C80  }
0x12a: {  	[tilespmem:s29], [sflag:$0x1] =	stream.indirect.gather [spmem:s2], $0x1, s28, s25, $0xb8;
	[tilespmem:$0x7D00] =	vst v63  }
0x12b: {  	s28 =	simm.s32 $0x5D00  }
0x12c: {  	[tilespmem:s28], [sflag:$0x1] =	stream.indirect.gather [spmem:s2], $0x1, s31, s25, $0xb8;
	[tilespmem:$0x7D00] =	vst v63  }
0x12d: {  	s28 =	simm.s32 $0x5D80  }
0x12e: {  	[tilespmem:s28], [sflag:$0x1] =	stream.indirect.gather [spmem:s2], $0x1, s1, s25, $0xb8;
	[tilespmem:$0x7D00] =	vst v63  }
0x12f: {  	s28 =	simm.s32 $0x5E00  }
0x130: {  	[tilespmem:s28], [sflag:$0x1] =	stream.indirect.gather [spmem:s2], $0x1, s0, s25, $0xb8;
	[tilespmem:$0x7D00] =	vst v63  }
0x131: {  	s28 =	simm.s32 $0x5E80  }
0x132: {  	[tilespmem:s28], [sflag:$0x1] =	stream.indirect.gather [spmem:s2], $0x1, s4, s25, $0xb8;
	[tilespmem:$0x7D00] =	vst v63  }
0x133: {  	s28 =	simm.s32 $0x5F00  }
0x134: {  	[tilespmem:s28], [sflag:$0x1] =	stream.indirect.gather [spmem:s2], $0x1, s5, s25, $0xb8;
	[tilespmem:$0x7D00] =	vst v63  }
0x135: {  	s28 =	simm.s32 $0x5F80  }
0x136: {  	[tilespmem:s28], [sflag:$0x1] =	stream.indirect.gather [spmem:s2], $0x1, s6, s25, $0xb8;
	[tilespmem:$0x7D00] =	vst v63  }
0x137: {  	s28 =	simm.s32 $0x6000  }
0x138: {  	[tilespmem:s28], [sflag:$0x1] =	stream.indirect.gather [spmem:s2], $0x1, s9, s25, $0xb8;
	[tilespmem:$0x7D00] =	vst v63  }
0x139: {  	s28 =	simm.s32 $0x6080  }
0x13a: {  	[tilespmem:s28], [sflag:$0x1] =	stream.indirect.gather [spmem:s2], $0x1, s10, s25, $0xb8;
	[tilespmem:$0x7D00] =	vst v63  }
0x13b: {  	s28 =	simm.s32 $0x6100  }
0x13c: {  	[tilespmem:s28], [sflag:$0x1] =	stream.indirect.gather [spmem:s2], $0x1, s11, s25, $0xb8;
	[tilespmem:$0x7D00] =	vst v63  }
0x13d: {  	s28 =	simm.s32 $0x6180  }
0x13e: {  	[tilespmem:s28], [sflag:$0x1] =	stream.indirect.gather [spmem:s2], $0x1, s12, s25, $0xb8;
	[tilespmem:$0x7D00] =	vst v63  }
0x13f: {  	s28 =	simm.s32 $0x6200  }
0x140: {  	[tilespmem:s28], [sflag:$0x1] =	stream.indirect.gather [spmem:s2], $0x1, s13, s25, $0xb8;
	[tilespmem:$0x7D00] =	vst v63  }
0x141: {  	s28 =	simm.s32 $0x6280  }
0x142: {  	[tilespmem:s28], [sflag:$0x1] =	stream.indirect.gather [spmem:s2], $0x1, s14, s25, $0xb8;
	[tilespmem:$0x7D00] =	vst v63  }
0x143: {  	s28 =	simm.s32 $0x6300  }
0x144: {  	[tilespmem:s28], [sflag:$0x1] =	stream.indirect.gather [spmem:s2], $0x1, s15, s25, $0xb8;
	[tilespmem:$0x7D00] =	vst v63  }
0x145: {  	s28 =	simm.s32 $0x6380  }
0x146: {  	[tilespmem:s28], [sflag:$0x1] =	stream.indirect.gather [spmem:s2], $0x1, s16, s25, $0xb8;
	[tilespmem:$0x7D00] =	vst v63  }
0x147: {  	s28 =	simm.s32 $0x6400  }
0x148: {  	[tilespmem:s28], [sflag:$0x1] =	stream.indirect.gather [spmem:s2], $0x1, s17, s25, $0xb8;
	[tilespmem:$0x7D00] =	vst v63  }
0x149: {  	s28 =	simm.s32 $0x6480  }
0x14a: {  	[tilespmem:s28], [sflag:$0x1] =	stream.indirect.gather [spmem:s2], $0x1, s18, s25, $0xb8;
	[tilespmem:$0x7D00] =	vst v63  }
0x14b: {  	s28 =	simm.s32 $0x6500  }
0x14c: {  	[tilespmem:s28], [sflag:$0x1] =	stream.indirect.gather [spmem:s2], $0x1, s19, s25, $0xb8;
	[tilespmem:$0x7D00] =	vst v63  }
0x14d: {  	s28 =	simm.s32 $0x6580  }
0x14e: {  	[tilespmem:s28], [sflag:$0x1] =	stream.indirect.gather [spmem:s2], $0x1, s20, s25, $0xb8;
	[tilespmem:$0x7D00] =	vst v63  }
0x14f: {  	s28 =	simm.s32 $0x6600  }
0x150: {  	[tilespmem:s28], [sflag:$0x1] =	stream.indirect.gather [spmem:s2], $0x1, s21, s25, $0xb8;
	[tilespmem:$0x7D00] =	vst v63  }
0x151: {  	_ =	swait.ge [sflag:s24], $0x1400  }
0x152: {  	[sflag:s24] =	ssyncset.done $0x0  }
0x153: {  	s28 =	simm.s32 $0x0;
	[sflag:s24] =	ssyncadd.s32 $0xFFFFEC00  }
0x154: {  	v2 =	vld [tilespmem:s28+$0x5280];
	_ =	sdelay $0x4  }
0x155: {  	v2 =	vadd.f32 $1.000000000e+00, v2;
	_ =	sdelay $0x1  }
0x156: {  	(erf) = vrcp.f32 v2;
	v2 =	vld [tilespmem:s28+$0x5290];
	_ =	sdelay $0x4  }
0x157: {  	v3 =	vld.idx.msk [tilespmem:v0+s28+$0xFFFFFFC0 ss:$0x1], $0xffff;
	v2 =	vadd.f32 $1.000000000e+00, v2;
	_ =	sdelay $0x2  }
0x158: {  	v4 =	vld [tilespmem:s28+$0x52A0];
	(erf) = vrcp.f32 v2  }
0x159: {  	v2 =	vpop (erf)  }
0x15a: {  	v2 =	vmul.f32 v2, v3;
	_ =	sdelay $0x1  }
0x15b: {  	[tilespmem:s28+$0x6680] =	vst v2  }
0x15c: {  	v3 =	vadd.f32 $1.000000000e+00, v4;
	v2 =	vld.idx.msk [tilespmem:v0+s28+$0xFFFFFFD0 ss:$0x1], $0xffff;
	_ =	sdelay $0x2  }
0x15d: {  	v59 =	vld [tilespmem:s28+$0x52B0];
	(erf) = vrcp.f32 v3  }
0x15e: {  	v3 =	vpop (erf)  }
0x15f: {  	v2 =	vmul.f32 v3, v2;
	_ =	sdelay $0x1  }
0x160: {  	[tilespmem:s28+$0x6690] =	vst v2  }
0x161: {  	v3 =	vadd.f32 $1.000000000e+00, v59;
	v2 =	vld.idx.msk [tilespmem:v0+s28+$0xFFFFFFE0 ss:$0x1], $0xffff;
	_ =	sdelay $0x2  }
0x162: {  	v60 =	vld [tilespmem:s28+$0x52C0];
	(erf) = vrcp.f32 v3  }
0x163: {  	v3 =	vpop (erf)  }
0x164: {  	v2 =	vmul.f32 v3, v2;
	_ =	sdelay $0x1  }
0x165: {  	[tilespmem:s28+$0x66A0] =	vst v2  }
0x166: {  	v3 =	vadd.f32 $1.000000000e+00, v60;
	v2 =	vld.idx.msk [tilespmem:v0+s28+$0xFFFFFFF0 ss:$0x1], $0xffff;
	_ =	sdelay $0x2  }
0x167: {  	v61 =	vld [tilespmem:s28+$0x52D0];
	(erf) = vrcp.f32 v3  }
0x168: {  	v3 =	vpop (erf)  }
0x169: {  	v2 =	vmul.f32 v3, v2;
	_ =	sdelay $0x1  }
0x16a: {  	[tilespmem:s28+$0x66B0] =	vst v2  }
0x16b: {  	v3 =	vadd.f32 $1.000000000e+00, v61;
	v2 =	vld.idx.msk [tilespmem:v0+s28+$0x0 ss:$0x1], $0xffff;
	_ =	sdelay $0x2  }
0x16c: {  	v62 =	vld [tilespmem:s28+$0x52E0];
	(erf) = vrcp.f32 v3  }
0x16d: {  	v3 =	vpop (erf)  }
0x16e: {  	v2 =	vmul.f32 v3, v2;
	_ =	sdelay $0x1  }
0x16f: {  	[tilespmem:s28+$0x66C0] =	vst v2  }
0x170: {  	v3 =	vadd.f32 $1.000000000e+00, v62;
	v2 =	vld.idx.msk [tilespmem:v0+s28+$0x10 ss:$0x1], $0xffff;
	_ =	sdelay $0x2  }
0x171: {  	(erf) = vrcp.f32 v3  }
0x172: {  	v3 =	vpop (erf)  }
0x173: {  	v2 =	vmul.f32 v3, v2;
	v3 =	vld [tilespmem:s28+$0x52F0];
	_ =	sdelay $0x1  }
0x174: {  	[tilespmem:s28+$0x66D0] =	vst v2  }
0x175: {  	v2 =	vld.idx.msk [tilespmem:v0+s28+$0x20 ss:$0x1], $0xffff;
	_ =	sdelay $0x1  }
0x176: {  	v3 =	vadd.f32 $1.000000000e+00, v3;
	_ =	sdelay $0x1  }
0x177: {  	v63 =	vpop (erf);
	(erf) = vrcp.f32 v3  }
0x178: {  	s30 =	simm.s32 $0x80;
	s29 =	simm.s32 $0x400;
	v2 =	vmul.f32 v63, v2  }
.LBB2_2:
0x179: {  	p1 =	sne.s32 s29, $0x4E00;
	v3 =	vld [tilespmem:s30+$0x5280]  }
0x17a: {  	[tilespmem:s28+$0x66E0] =	vst v2  }
0x17b: {  	v2 =	vld.idx.msk [tilespmem:v0+s28+$0x30 ss:$0x1], $0xffff;
	_ =	sdelay $0x2  }
0x17c: {  	v4 =	vadd.f32 $1.000000000e+00, v3;
	_ =	sdelay $0x1  }
0x17d: {  	(erf) = vrcp.f32 v4;
	v3 =	vpop (erf)  }
0x17e: {  	v2 =	vmul.f32 v3, v2  }
0x17f: {  	v3 =	vld [tilespmem:s30+$0x5290]  }
0x180: {  	[tilespmem:s28+$0x66F0] =	vst v2;
	s28 =	smov.u32 s30  }
0x181: {  	v2 =	vld.idx.msk [tilespmem:v0+s28+$0xFFFFFFC0 ss:$0x1], $0xffff;
	_ =	sdelay $0x2  }
0x182: {  	v3 =	vadd.f32 $1.000000000e+00, v3;
	_ =	sdelay $0x1  }
0x183: {  	v4 =	vpop (erf);
	(erf) = vrcp.f32 v3  }
0x184: {  	v2 =	vmul.f32 v4, v2  }
0x185: {  	v3 =	vld [tilespmem:s28+$0x52A0]  }
0x186: {  	[tilespmem:s28+$0x6680] =	vst v2  }
0x187: {  	v2 =	vld.idx.msk [tilespmem:v0+s28+$0xFFFFFFD0 ss:$0x1], $0xffff;
	_ =	sdelay $0x2  }
0x188: {  	v3 =	vadd.f32 $1.000000000e+00, v3;
	_ =	sdelay $0x1  }
0x189: {  	v4 =	vpop (erf);
	(erf) = vrcp.f32 v3  }
0x18a: {  	v2 =	vmul.f32 v4, v2  }
0x18b: {  	v3 =	vld [tilespmem:s28+$0x52B0]  }
0x18c: {  	[tilespmem:s28+$0x6690] =	vst v2  }
0x18d: {  	v2 =	vld.idx.msk [tilespmem:v0+s28+$0xFFFFFFE0 ss:$0x1], $0xffff;
	_ =	sdelay $0x2  }
0x18e: {  	v3 =	vadd.f32 $1.000000000e+00, v3;
	_ =	sdelay $0x1  }
0x18f: {  	v4 =	vpop (erf);
	(erf) = vrcp.f32 v3  }
0x190: {  	v2 =	vmul.f32 v4, v2  }
0x191: {  	v3 =	vld [tilespmem:s28+$0x52C0]  }
0x192: {  	[tilespmem:s28+$0x66A0] =	vst v2  }
0x193: {  	v2 =	vld.idx.msk [tilespmem:v0+s28+$0xFFFFFFF0 ss:$0x1], $0xffff;
	_ =	sdelay $0x2  }
0x194: {  	v3 =	vadd.f32 $1.000000000e+00, v3;
	_ =	sdelay $0x1  }
0x195: {  	v4 =	vpop (erf);
	(erf) = vrcp.f32 v3  }
0x196: {  	v2 =	vmul.f32 v4, v2  }
0x197: {  	v3 =	vld [tilespmem:s28+$0x52D0]  }
0x198: {  	[tilespmem:s28+$0x66B0] =	vst v2  }
0x199: {  	v2 =	vld.idx.msk [tilespmem:v0+s28+$0x0 ss:$0x1], $0xffff;
	_ =	sdelay $0x2  }
0x19a: {  	v3 =	vadd.f32 $1.000000000e+00, v3;
	_ =	sdelay $0x1  }
0x19b: {  	v4 =	vpop (erf);
	(erf) = vrcp.f32 v3  }
0x19c: {  	v2 =	vmul.f32 v4, v2  }
0x19d: {  	v3 =	vld [tilespmem:s28+$0x52E0]  }
0x19e: {  	[tilespmem:s28+$0x66C0] =	vst v2  }
0x19f: {  	v2 =	vld.idx.msk [tilespmem:v0+s28+$0x10 ss:$0x1], $0xffff;
	_ =	sdelay $0x2  }
0x1a0: {  	v3 =	vadd.f32 $1.000000000e+00, v3;
	_ =	sdelay $0x1  }
0x1a1: {  	v4 =	vpop (erf);
	(erf) = vrcp.f32 v3  }
0x1a2: {  	v2 =	vmul.f32 v4, v2  }
0x1a3: {  	v3 =	vld [tilespmem:s28+$0x52F0]  }
0x1a4: {  	[tilespmem:s28+$0x66D0] =	vst v2  }
0x1a5: {  	v2 =	vld.idx.msk [tilespmem:v0+s28+$0x20 ss:$0x1], $0xffff;
	_ =	sdelay $0x1  }
.Ltmp0:
0x1a6: {  	(pc) =	sbr.rel @p1 .LBB2_2-.Ltmp0, $3  }
0x1a7: {  	v3 =	vadd.f32 $1.000000000e+00, v3;
	_ =	sdelay $0x1  }
0x1a8: {  	v4 =	vpop (erf);
	(erf) = vrcp.f32 v3  }
0x1a9: {  	s30 =	sshra.s32 s29, $0x2;
	s29 =	sadd.s32 $0x200, s29;
	v2 =	vmul.f32 v4, v2  }
0x1aa: {  	v3 =	vld [tilespmem:s30+$0x5280];
	_ =	sdelay $0x3  }
0x1ab: {  	[tilespmem:s28+$0x66E0] =	vst v2  }
0x1ac: {  	v2 =	vld.idx.msk [tilespmem:v0+s28+$0x30 ss:$0x1], $0xffff;
	v3 =	vadd.f32 $1.000000000e+00, v3;
	_ =	sdelay $0x2  }
0x1ad: {  	v4 =	vld [tilespmem:s30+$0x5290];
	(erf) = vrcp.f32 v3  }
0x1ae: {  	v3 =	vpop (erf)  }
0x1af: {  	v2 =	vmul.f32 v3, v2;
	_ =	sdelay $0x1  }
0x1b0: {  	[tilespmem:s28+$0x66F0] =	vst v2  }
0x1b1: {  	v3 =	vadd.f32 $1.000000000e+00, v4;
	v2 =	vld.idx.msk [tilespmem:v0+s30+$0xFFFFFFC0 ss:$0x1], $0xffff;
	_ =	sdelay $0x2  }
0x1b2: {  	(erf) = vrcp.f32 v3;
	v58 =	vld [tilespmem:s30+$0x52A0]  }
0x1b3: {  	v3 =	vpop (erf)  }
0x1b4: {  	v2 =	vmul.f32 v3, v2;
	_ =	sdelay $0x1  }
0x1b5: {  	[tilespmem:s30+$0x6680] =	vst v2  }
0x1b6: {  	v3 =	vadd.f32 $1.000000000e+00, v58;
	v2 =	vld.idx.msk [tilespmem:v0+s30+$0xFFFFFFD0 ss:$0x1], $0xffff;
	_ =	sdelay $0x2  }
0x1b7: {  	v59 =	vld [tilespmem:s30+$0x52B0];
	(erf) = vrcp.f32 v3  }
0x1b8: {  	v3 =	vpop (erf)  }
0x1b9: {  	v2 =	vmul.f32 v3, v2;
	_ =	sdelay $0x1  }
0x1ba: {  	[tilespmem:s30+$0x6690] =	vst v2  }
0x1bb: {  	v3 =	vadd.f32 $1.000000000e+00, v59;
	v2 =	vld.idx.msk [tilespmem:v0+s30+$0xFFFFFFE0 ss:$0x1], $0xffff;
	_ =	sdelay $0x2  }
0x1bc: {  	v60 =	vld [tilespmem:s30+$0x52C0];
	(erf) = vrcp.f32 v3  }
0x1bd: {  	v3 =	vpop (erf)  }
0x1be: {  	v2 =	vmul.f32 v3, v2;
	_ =	sdelay $0x1  }
0x1bf: {  	[tilespmem:s30+$0x66A0] =	vst v2  }
0x1c0: {  	v3 =	vadd.f32 $1.000000000e+00, v60;
	v2 =	vld.idx.msk [tilespmem:v0+s30+$0xFFFFFFF0 ss:$0x1], $0xffff;
	_ =	sdelay $0x2  }
0x1c1: {  	v61 =	vld [tilespmem:s30+$0x52D0];
	(erf) = vrcp.f32 v3  }
0x1c2: {  	v3 =	vpop (erf)  }
0x1c3: {  	v2 =	vmul.f32 v3, v2;
	_ =	sdelay $0x1  }
0x1c4: {  	[tilespmem:s30+$0x66B0] =	vst v2  }
0x1c5: {  	v3 =	vadd.f32 $1.000000000e+00, v61;
	v2 =	vld.idx.msk [tilespmem:v0+s30+$0x0 ss:$0x1], $0xffff;
	_ =	sdelay $0x2  }
0x1c6: {  	v62 =	vld [tilespmem:s30+$0x52E0];
	(erf) = vrcp.f32 v3  }
0x1c7: {  	v3 =	vpop (erf)  }
0x1c8: {  	v2 =	vmul.f32 v3, v2;
	_ =	sdelay $0x1  }
0x1c9: {  	[tilespmem:s30+$0x66C0] =	vst v2  }
0x1ca: {  	v3 =	vadd.f32 $1.000000000e+00, v62;
	v2 =	vld.idx.msk [tilespmem:v0+s30+$0x10 ss:$0x1], $0xffff;
	_ =	sdelay $0x2  }
0x1cb: {  	v63 =	vld [tilespmem:s30+$0x52F0];
	(erf) = vrcp.f32 v3  }
0x1cc: {  	v3 =	vpop (erf)  }
0x1cd: {  	v2 =	vmul.f32 v3, v2;
	_ =	sdelay $0x1  }
0x1ce: {  	[tilespmem:s30+$0x66D0] =	vst v2  }
0x1cf: {  	v3 =	vadd.f32 $1.000000000e+00, v63;
	v2 =	vld.idx.msk [tilespmem:v0+s30+$0x20 ss:$0x1], $0xffff;
	_ =	sdelay $0x2  }
0x1d0: {  	(erf) = vrcp.f32 v3  }
0x1d1: {  	v3 =	vpop (erf)  }
0x1d2: {  	v2 =	vmul.f32 v3, v2;
	_ =	sdelay $0x1  }
0x1d3: {  	[tilespmem:s30+$0x66E0] =	vst v2  }
0x1d4: {  	v2 =	vld.idx.msk [tilespmem:v0+s30+$0x30 ss:$0x1], $0xffff;
	_ =	sdelay $0x3  }
0x1d5: {  	v3 =	vpop (erf)  }
0x1d6: {  	v2 =	vmul.f32 v3, v2;
	_ =	sdelay $0x1  }
0x1d7: {  	s29 =	simm.s32 @p0 $0x6680;
	s28 =	simm.s32 @p0 $0x0;
	[tilespmem:s30+$0x66F0] =	vst v2  }
0x1d8: {  	[hbm4b:s8+s28] =	stream.linear.scatter @p0 [tilespmem:s29], [sflag:$0x2], $0x500, $0x38;
	[tilespmem:$0x7D00] =	vst v63  }
0x1d9: {  	s28 =	simm.s32 @p0 $0x2  }
0x1da: {  	_ =	swait.ge @p0 [sflag:s28], $0x500  }
0x1db: {  	[sflag:s28] =	ssyncset.done @p0 $0x0  }
0x1dc: {  	s29 =	simm.s32 @!p0 $0x6680;
	[sflag:s28] =	ssyncadd.s32 @p0 $0xFFFFFB00;
	s28 =	simm.s32 @!p0 $0x0  }
0x1dd: {  	[hbm4b:s8+s28] =	stream.linear.scatter @!p0 [tilespmem:s29], [sflag:$0x2], $0x1400, $0x38;
	[tilespmem:$0x7D00] =	vst v63  }
0x1de: {  	s28 =	simm.s32 @!p0 $0x2  }
0x1df: {  	_ =	swait.ge @!p0 [sflag:s28], $0x1400  }
0x1e0: {  	s26 =	sadd.s32 $0x1, s26;
	s30 =	rddreg [dreg:$0x7]  }
0x1e1: {  	p1 =	sne.s32 s26, s30  }
.Ltmp1:
0x1e2: {  	_ = 	snop;
	(pc) =	sbr.rel @p1 .LBB2_1-.Ltmp1, $3  }
0x1e3: {  	_ =	sdelay $0x1  }
0x1e4: {  	[sflag:s28] =	ssyncset.done @!p0 $0x0  }
0x1e5: {  	[sflag:s28] =	ssyncadd.s32 @!p0 $0xFFFFEC00  }
0x1e6: {  	_ =	sfence.sel $0x180000  }
0x1e7: {  	[bflag:$0x0] =	sbarrier.arrive $0xFFFF  }
0x1e8: {  	_ =	strace $0x90000047  }
0x1e9: {  	s0 =	stileid.u32;
	[bflag:$0x2] =	sbarrier.arrive $0xFFFF  }
0x1ea: {  	p0 =	sne.s32 s0, $0x0;
	s0 =	rddreg [dreg:$0x3]  }
0x1eb: {  	s0 =	sadd.s32 @!p0 $0x100000, s0  }
0x1ec: {  	[sflag:s0] =	ssyncadd.tile.s32 @!p0 $0x1;
	_ =	shalt  }
.Lfunc_end2:
_tile_overlayer_lowered:
.L_overlay_start_2:
0x1ed: {  	(tag) =	ssettag $0x2  }
0x1ee: {  	s0 =	rddreg [dreg:$0x0];
	s2 =	stileid.u32  }
0x1ef: {  	s1 =	rddreg [dreg:$0x1];
	p0 =	sne.s32 s2, $0x0  }
0x1f0: {  	s3 =	rddreg [dreg:$0x2];
	[bflag:$0x3] =	sbarrier.arrive $0xFFFF;
	s2 =	simm.s32 @!p0 $0x1C02  }
0x1f1: {  	[timem:s3], [sflag:s2] =	dma.local @!p0 [hbm:s0], s1  }
0x1f2: {  	s0 =	simm.s32 @!p0 $0x2  }
0x1f3: {  	_ =	swait.ge @!p0 [sflag:s0], s1  }
0x1f4: {  	s1 =	ssub.s32 @!p0 $0x0, s1;
	[sflag:s0] =	ssyncset.done @!p0 $0x0  }
0x1f5: {  	[sflag:s0] =	ssyncadd.s32 @!p0 s1  }
0x1f6: {  	[bflag:$0x3] =	sbarrier.arrive $0xFFFF  }
0x1f7: {  	_ =	shalt  }

</sc_bundles>
